<compile_context>
chip_gen: v7x
topology: tpu7x:2x2x1
jax: 0.10.2.dev20260603
libtpu: 0.0.44.dev20260713+nightly
codegen_flags: <defaults>
</compile_context>

<pallas_src>
import functools

import jax
import jax.numpy as jnp
from jax import lax
from jax.experimental import pallas as pl
from jax.experimental.pallas import tpu as pltpu
from jax.experimental.pallas import tpu_sc as plsc

N = 10000
E = 320000
D = 128

NC = 2
NS = 16
NW = NC * NS
C = 128
NCH = 80
H0 = 40
H1 = NCH - H0
EP = NCH * C
E_PAD = NW * EP
N_PAD = 10240
ROWS_PT = N_PAD // NS
ZCP = ROWS_PT // C

_mesh = plsc.VectorSubcoreMesh(core_axis_name="c", subcore_axis_name="s")


@functools.partial(
    pl.kernel,
    out_type=jax.ShapeDtypeStruct((NC, 2, N_PAD), jnp.float32),
    mesh=_mesh,
    scratch_types=[
        pltpu.VMEM((NCH, C), jnp.int32),
        pltpu.VMEM((NCH, C), jnp.int32),
        pltpu.VMEM((C,), jnp.float32),
        pltpu.VMEM_SHARED((N_PAD,), jnp.float32),
        pltpu.VMEM_SHARED((N_PAD,), jnp.float32),
    ],
)
def _deg_kernel(edge_hbm, ones_hbm, zeros_hbm, out_hbm,
                sidx, didx, ones_v, acc_out, acc_in):
    cid = lax.axis_index("c")
    sid = lax.axis_index("s")
    wid = cid * NS + sid
    zslice = pl.ds(sid * (N_PAD // NS), N_PAD // NS)
    pltpu.sync_copy(zeros_hbm.at[zslice], acc_out.at[zslice])
    pltpu.sync_copy(zeros_hbm.at[zslice], acc_in.at[zslice])
    pltpu.sync_copy(edge_hbm.at[0, wid], sidx)
    pltpu.sync_copy(edge_hbm.at[1, wid], didx)
    pltpu.sync_copy(ones_hbm, ones_v)
    plsc.subcore_barrier()

    def body(j, carry):
        pltpu.sync_copy(ones_v, acc_out.at[sidx.at[j]], add=True)
        pltpu.sync_copy(ones_v, acc_in.at[didx.at[j]], add=True)
        return carry

    lax.fori_loop(0, NCH, body, 0)
    plsc.subcore_barrier()
    pltpu.sync_copy(acc_out.at[zslice], out_hbm.at[cid, 0, zslice])
    pltpu.sync_copy(acc_in.at[zslice], out_hbm.at[cid, 1, zslice])


@functools.partial(
    pl.kernel,
    out_type=jax.ShapeDtypeStruct((NC, N_PAD, D), jnp.float32),
    mesh=_mesh,
    scratch_types=[
        pltpu.VMEM((H0, C), jnp.int32),
        pltpu.VMEM((H0, C), jnp.int32),
        pltpu.VMEM((C, D), jnp.float32),
        pltpu.VMEM((C, D), jnp.float32),
        pltpu.VMEM_SHARED((N_PAD, D), jnp.float32),
        pltpu.SemaphoreType.DMA,
        pltpu.SemaphoreType.DMA,
    ],
)
def _conv_kernel(t_hbm, edge_hbm, zeros_hbm, out_hbm,
                 sidx, didx, rows0, rows1, acc, gsem0, gsem1):
    cid = lax.axis_index("c")
    sid = lax.axis_index("s")
    wid = cid * NS + sid
    zslice = pl.ds(sid * ROWS_PT, ROWS_PT)
    pltpu.sync_copy(zeros_hbm, rows0)
    for k in range(ZCP):
        pltpu.async_copy(
            rows0, acc.at[pl.ds(sid * ROWS_PT + k * C, C)], gsem0)
    pltpu.async_copy(edge_hbm.at[0, wid, pl.ds(0, H0)], sidx, gsem1)
    pltpu.async_copy(edge_hbm.at[1, wid, pl.ds(0, H0)], didx, gsem1)
    for k in range(ZCP):
        pltpu.make_async_copy(
            rows0, acc.at[pl.ds(sid * ROWS_PT + k * C, C)], gsem0).wait()
    pltpu.make_async_copy(edge_hbm.at[0, wid, pl.ds(0, H0)], sidx,
                          gsem1).wait()
    pltpu.make_async_copy(edge_hbm.at[1, wid, pl.ds(0, H0)], didx,
                          gsem1).wait()
    plsc.subcore_barrier()

    def make_body(npairs):
        def body(jj, carry):
            j0 = 2 * jj
            pltpu.async_copy(t_hbm.at[sidx.at[j0 + 1]], rows1, gsem1)
            pltpu.make_async_copy(t_hbm.at[sidx.at[j0]], rows0, gsem0).wait()
            pltpu.sync_copy(rows0, acc.at[didx.at[j0]], add=True)

            @pl.when(jj < npairs - 1)
            def _():
                pltpu.async_copy(t_hbm.at[sidx.at[j0 + 2]], rows0, gsem0)

            pltpu.make_async_copy(t_hbm.at[sidx.at[j0 + 1]], rows1,
                                  gsem1).wait()
            pltpu.sync_copy(rows1, acc.at[didx.at[j0 + 1]], add=True)
            return carry
        return body

    pltpu.async_copy(t_hbm.at[sidx.at[0]], rows0, gsem0)
    lax.fori_loop(0, H0 // 2, make_body(H0 // 2), 0)

    pltpu.sync_copy(edge_hbm.at[0, wid, pl.ds(H0, H1)], sidx)
    pltpu.sync_copy(edge_hbm.at[1, wid, pl.ds(H0, H1)], didx)
    pltpu.async_copy(t_hbm.at[sidx.at[0]], rows0, gsem0)
    lax.fori_loop(0, H1 // 2, make_body(H1 // 2), 0)

    plsc.subcore_barrier()
    pltpu.sync_copy(acc.at[zslice], out_hbm.at[cid, zslice])


BR = 2000


def _tc_mm_body(h_ref, w0_ref, q_ref):
    q_ref[...] = jnp.dot(h_ref[...], w0_ref[...],
                         preferred_element_type=jnp.float32)


PAD_PER_ROW = (E_PAD - E) // 240


def _tc1_body(deg_ref, q_ref, csrc_ref, cdst_ref, t0_ref):
    i = pl.program_id(0)
    row = lax.broadcasted_iota(jnp.int32, (BR, 1), 0) + i * BR
    corr = jnp.where(row < 240, float(PAD_PER_ROW), 0.0)
    deg_out = deg_ref[0, 0] + deg_ref[1, 0] - corr
    deg_in = deg_ref[0, 1] + deg_ref[1, 1]
    c_src = lax.rsqrt(jnp.maximum(deg_out, 1.0))
    c_dst = lax.rsqrt(jnp.maximum(deg_in, 1.0))
    csrc_ref[...] = c_src
    cdst_ref[...] = c_dst
    t0_ref[...] = q_ref[...] * c_src


def _tc_mid_body(p_ref, cdst_ref, b_ref, csrc_ref, w_ref, t_ref):
    agg = (p_ref[0] + p_ref[1]) * cdst_ref[...]
    hnew = jnp.maximum(agg + b_ref[...], 0.0)
    t_ref[...] = jnp.dot(hnew * csrc_ref[...], w_ref[...],
                         preferred_element_type=jnp.float32)


def _tc_post_body(p_ref, cdst_ref, b_ref, out_ref):
    agg = (p_ref[0] + p_ref[1]) * cdst_ref[...]
    out_ref[...] = jnp.maximum(agg + b_ref[...], 0.0)


_rows = pl.BlockSpec((BR, D), lambda i: (i, 0))
_col = pl.BlockSpec((BR, 1), lambda i: (i, 0))
_wfull = pl.BlockSpec((D, D), lambda i: (0, 0))
_bfull = pl.BlockSpec((1, D), lambda i: (0, 0))
_pblk = pl.BlockSpec((NC, BR, D), lambda i: (0, i, 0))
_degblk = pl.BlockSpec((NC, 2, BR, 1), lambda i: (0, 0, i, 0))

_tc_mm = pl.pallas_call(
    _tc_mm_body,
    grid=(N // BR,),
    in_specs=[_rows, _wfull],
    out_specs=_rows,
    out_shape=jax.ShapeDtypeStruct((N, D), jnp.float32),
)

_tc1 = pl.pallas_call(
    _tc1_body,
    grid=(N // BR,),
    in_specs=[_degblk, _rows],
    out_specs=(_col, _col, _rows),
    out_shape=(
        jax.ShapeDtypeStruct((N, 1), jnp.float32),
        jax.ShapeDtypeStruct((N, 1), jnp.float32),
        jax.ShapeDtypeStruct((N, D), jnp.float32),
    ),
)

_tc_mid = pl.pallas_call(
    _tc_mid_body,
    grid=(N // BR,),
    in_specs=[_pblk, _col, _bfull, _col, _wfull],
    out_specs=_rows,
    out_shape=jax.ShapeDtypeStruct((N, D), jnp.float32),
)

_tc_post = pl.pallas_call(
    _tc_post_body,
    grid=(N // BR,),
    in_specs=[_pblk, _col, _bfull],
    out_specs=_rows,
    out_shape=jax.ShapeDtypeStruct((N, D), jnp.float32),
)


def kernel(h, edge_index, W0, b0, W1, b1):
    pad = jnp.arange(E_PAD - E, dtype=jnp.int32) % 240
    pad = jnp.stack([pad, pad + N])
    edges_raw = edge_index.astype(jnp.int32)
    edges = jnp.concatenate([edges_raw, pad], axis=1)
    edges = edges.reshape(2, NW, NCH, C)
    ones_c = jnp.ones((C,), jnp.float32)
    zeros_pad = jnp.zeros((N_PAD,), jnp.float32)
    zeros_cd = jnp.zeros((C, D), jnp.float32)

    q0 = _tc_mm(h, W0)
    deg = _deg_kernel(edges, ones_c, zeros_pad)
    deg4 = deg.reshape(NC, 2, N_PAD, 1)
    c_src, c_dst, t0 = _tc1(deg4, q0)

    p0 = _conv_kernel(t0, edges, zeros_cd)
    t1 = _tc_mid(p0, c_dst, b0.reshape(1, D), c_src, W1)

    p1 = _conv_kernel(t1, edges, zeros_cd)
    return _tc_post(p1, c_dst, b1.reshape(1, D))

# --- scband reference (transcript-rebuilt; emitter-appended) ---
"""Pipeline reference for scband-graph-structure-encoder-43439299232183 (READ-ONLY COPY).

The authoritative reference and input builder live on the scoring server;
editing this copy changes nothing except your own understanding.
"""

import jax, jax.numpy as jnp
import numpy as np

N = 10000
E = 320000
D_IN = 128
D_H = 128


def setup_inputs(seed: int = 0):
    key = jax.random.key(seed)
    k1, k2, k3, k4 = jax.random.split(key, 4)
    h = jax.random.normal(k1, (N, D_IN), dtype=jnp.float32)
    edge_index = jax.random.randint(k2, (2, E), 0, N)
    # GraphConv weights (glorot-ish init) and biases, per init_kwargs
    W0 = jax.random.normal(k3, (D_IN, D_H), dtype=jnp.float32) * (1.0 / np.sqrt(D_IN))
    b0 = jnp.zeros((D_H,), dtype=jnp.float32)
    W1 = jax.random.normal(k4, (D_H, D_H), dtype=jnp.float32) * (1.0 / np.sqrt(D_H))
    b1 = jnp.zeros((D_H,), dtype=jnp.float32)
    return {"h": h, "edge_index": edge_index, "W0": W0, "b0": b0, "W1": W1, "b1": b1}


def _graph_conv(h, src, dst, W, b):
    # DGL GraphConv with norm='both': D_out^{-1/2} gather, sum-scatter to dst, D_in^{-1/2}, then linear
    ones = jnp.ones((src.shape[0],), dtype=h.dtype)
    deg_out = jnp.zeros((N,), dtype=h.dtype).at[src].add(ones)
    deg_in = jnp.zeros((N,), dtype=h.dtype).at[dst].add(ones)
    c_src = jnp.where(deg_out > 0, deg_out, 1.0) ** (-0.5)
    c_dst = jnp.where(deg_in > 0, deg_in, 1.0) ** (-0.5)
    x = h * c_src[:, None]
    msg = jnp.take(x, src, axis=0)
    agg = jnp.zeros((N, h.shape[1]), dtype=h.dtype).at[dst].add(msg)
    agg = agg * c_dst[:, None]
    return agg @ W + b


def reference(h, edge_index, W0, b0, W1, b1):
    src = edge_index[0]
    dst = edge_index[1]
    # layer 1 + ReLU (dropout is identity in eval / deterministic reference)
    h = jax.nn.relu(_graph_conv(h, src, dst, W0, b0))
    # layer 2 + ReLU
    h = jax.nn.relu(_graph_conv(h, src, dst, W1, b1))
    return h

if __name__ == "__main__":
    import jax
    _d = setup_inputs()
    print(jax.jit(kernel)(*tuple(_d.values())))

</pallas_src>

<mosaic_0001>
#map = affine_map<(d0, d1) -> (0, 0, 0, 0)>
#map1 = affine_map<(d0, d1) -> (0)>
#map2 = affine_map<(d0, d1) -> (0, 0, 0)>
module attributes {stable_mosaic.version = 14 : i64} {
  func.func @_deg_kernel(%arg0: i32, %arg1: i32, %arg2: memref<2x32x80x128xi32, #tpu.memory_space<hbm>>, %arg3: memref<128xf32, #tpu.memory_space<hbm>>, %arg4: memref<10240xf32, #tpu.memory_space<hbm>>, %arg5: memref<2x2x10240xf32, #tpu.memory_space<hbm>>, %arg6: memref<80x128xi32, #tpu.memory_space<vmem>>, %arg7: memref<80x128xi32, #tpu.memory_space<vmem>>, %arg8: memref<128xf32, #tpu.memory_space<vmem>>, %arg9: memref<10240xf32, #tpu.memory_space<vmem_shared>>, %arg10: memref<10240xf32, #tpu.memory_space<vmem_shared>>) attributes {dimension_semantics = [#tpu.dimension_semantics<core_parallel>, #tpu.dimension_semantics<subcore_parallel>], iteration_bounds = array<i64: 2, 16>, scalar_prefetch = 0 : i64, scratch_operands = 5 : i64, tpu.core_type = #tpu.core_type<sc_vector_subcore>, window_params = [{transform_indices = #map}, {transform_indices = #map1}, {transform_indices = #map1}, {transform_indices = #map2}]} {
    %mul3A = arith.constant 16 : i32
    %mul3A_0 = arith.muli %arg0, %mul3A : i32
    %add3A = arith.addi %mul3A_0, %arg1 : i32
    %mul3A_1 = arith.constant 640 : i32
    %mul3A_2 = arith.muli %arg1, %mul3A_1 : i32
    "tpu.region"() ({
      %run_scoped3A_12 = tpu.sem_alloc : memref<!tpu.dma_semaphore, #tpu.memory_space<semaphore_mem>>
      %dma_start3A = tpu.memref_slice %arg9[%mul3A_2] : memref<10240xf32, #tpu.memory_space<vmem_shared>> -> memref<640xf32, #tpu.memory_space<vmem_shared>>
      %dma_start3A_13 = tpu.memref_slice %arg4[%mul3A_2] : memref<10240xf32, #tpu.memory_space<hbm>> -> memref<640xf32, #tpu.memory_space<hbm>>
      tpu.enqueue_dma source(%dma_start3A_13 : memref<640xf32, #tpu.memory_space<hbm>>) target(%dma_start3A : memref<640xf32, #tpu.memory_space<vmem_shared>>) target_semaphore(%run_scoped3A_12 : memref<!tpu.dma_semaphore, #tpu.memory_space<semaphore_mem>>)
      %dma_wait3A = tpu.memref_slice %arg9[%mul3A_2] : memref<10240xf32, #tpu.memory_space<vmem_shared>> -> memref<640xf32, #tpu.memory_space<vmem_shared>>
      %dma_wait3A_14 = tpu.memref_slice %arg4[%mul3A_2] : memref<10240xf32, #tpu.memory_space<hbm>> -> memref<640xf32, #tpu.memory_space<hbm>>
      tpu.wait_dma2 semaphore(%run_scoped3A_12 : memref<!tpu.dma_semaphore, #tpu.memory_space<semaphore_mem>>) src(%dma_wait3A_14 : memref<640xf32, #tpu.memory_space<hbm>>) dst(%dma_wait3A : memref<640xf32, #tpu.memory_space<vmem_shared>>)
      tpu.yield
    }) : () -> ()
    "tpu.region"() ({
      %run_scoped3A_12 = tpu.sem_alloc : memref<!tpu.dma_semaphore, #tpu.memory_space<semaphore_mem>>
      %dma_start3A = tpu.memref_slice %arg10[%mul3A_2] : memref<10240xf32, #tpu.memory_space<vmem_shared>> -> memref<640xf32, #tpu.memory_space<vmem_shared>>
      %dma_start3A_13 = tpu.memref_slice %arg4[%mul3A_2] : memref<10240xf32, #tpu.memory_space<hbm>> -> memref<640xf32, #tpu.memory_space<hbm>>
      tpu.enqueue_dma source(%dma_start3A_13 : memref<640xf32, #tpu.memory_space<hbm>>) target(%dma_start3A : memref<640xf32, #tpu.memory_space<vmem_shared>>) target_semaphore(%run_scoped3A_12 : memref<!tpu.dma_semaphore, #tpu.memory_space<semaphore_mem>>)
      %dma_wait3A = tpu.memref_slice %arg10[%mul3A_2] : memref<10240xf32, #tpu.memory_space<vmem_shared>> -> memref<640xf32, #tpu.memory_space<vmem_shared>>
      %dma_wait3A_14 = tpu.memref_slice %arg4[%mul3A_2] : memref<10240xf32, #tpu.memory_space<hbm>> -> memref<640xf32, #tpu.memory_space<hbm>>
      tpu.wait_dma2 semaphore(%run_scoped3A_12 : memref<!tpu.dma_semaphore, #tpu.memory_space<semaphore_mem>>) src(%dma_wait3A_14 : memref<640xf32, #tpu.memory_space<hbm>>) dst(%dma_wait3A : memref<640xf32, #tpu.memory_space<vmem_shared>>)
      tpu.yield
    }) : () -> ()
    %run_scoped3A = arith.constant 0 : i32
    "tpu.region"() ({
      %run_scoped3A_12 = tpu.sem_alloc : memref<!tpu.dma_semaphore, #tpu.memory_space<semaphore_mem>>
      %dma_start3A = arith.constant 0 : i32
      %dma_start3A_13 = arith.constant 0 : i32
      %dma_start3A_14 = tpu.memref_slice %arg2[%run_scoped3A, %add3A, %dma_start3A, %dma_start3A_13] : memref<2x32x80x128xi32, #tpu.memory_space<hbm>> -> memref<1x1x80x128xi32, #tpu.memory_space<hbm>>
      %dma_start3A_15 = tpu.memref_squeeze %dma_start3A_14 : memref<1x1x80x128xi32, #tpu.memory_space<hbm>> -> memref<80x128xi32, #tpu.memory_space<hbm>>
      %dma_start3A_16 = arith.constant 0 : i32
      %dma_start3A_17 = arith.constant 0 : i32
      %dma_start3A_18 = tpu.memref_slice %arg2[%run_scoped3A, %add3A, %dma_start3A_16, %dma_start3A_17] : memref<2x32x80x128xi32, #tpu.memory_space<hbm>> -> memref<1x1x80x128xi32, #tpu.memory_space<hbm>>
      %dma_start3A_19 = tpu.memref_squeeze %dma_start3A_18 : memref<1x1x80x128xi32, #tpu.memory_space<hbm>> -> memref<80x128xi32, #tpu.memory_space<hbm>>
      tpu.enqueue_dma source(%dma_start3A_19 : memref<80x128xi32, #tpu.memory_space<hbm>>) target(%arg6 : memref<80x128xi32, #tpu.memory_space<vmem>>) target_semaphore(%run_scoped3A_12 : memref<!tpu.dma_semaphore, #tpu.memory_space<semaphore_mem>>)
      %dma_wait3A = arith.constant 0 : i32
      %dma_wait3A_20 = arith.constant 0 : i32
      %dma_wait3A_21 = tpu.memref_slice %arg2[%run_scoped3A, %add3A, %dma_wait3A, %dma_wait3A_20] : memref<2x32x80x128xi32, #tpu.memory_space<hbm>> -> memref<1x1x80x128xi32, #tpu.memory_space<hbm>>
      %dma_wait3A_22 = tpu.memref_squeeze %dma_wait3A_21 : memref<1x1x80x128xi32, #tpu.memory_space<hbm>> -> memref<80x128xi32, #tpu.memory_space<hbm>>
      %dma_wait3A_23 = arith.constant 0 : i32
      %dma_wait3A_24 = arith.constant 0 : i32
      %dma_wait3A_25 = tpu.memref_slice %arg2[%run_scoped3A, %add3A, %dma_wait3A_23, %dma_wait3A_24] : memref<2x32x80x128xi32, #tpu.memory_space<hbm>> -> memref<1x1x80x128xi32, #tpu.memory_space<hbm>>
      %dma_wait3A_26 = tpu.memref_squeeze %dma_wait3A_25 : memref<1x1x80x128xi32, #tpu.memory_space<hbm>> -> memref<80x128xi32, #tpu.memory_space<hbm>>
      tpu.wait_dma2 semaphore(%run_scoped3A_12 : memref<!tpu.dma_semaphore, #tpu.memory_space<semaphore_mem>>) src(%dma_wait3A_26 : memref<80x128xi32, #tpu.memory_space<hbm>>) dst(%arg6 : memref<80x128xi32, #tpu.memory_space<vmem>>)
      tpu.yield
    }) : () -> ()
    %run_scoped3A_3 = arith.constant 1 : i32
    "tpu.region"() ({
      %run_scoped3A_12 = tpu.sem_alloc : memref<!tpu.dma_semaphore, #tpu.memory_space<semaphore_mem>>
      %dma_start3A = arith.constant 0 : i32
      %dma_start3A_13 = arith.constant 0 : i32
      %dma_start3A_14 = tpu.memref_slice %arg2[%run_scoped3A_3, %add3A, %dma_start3A, %dma_start3A_13] : memref<2x32x80x128xi32, #tpu.memory_space<hbm>> -> memref<1x1x80x128xi32, #tpu.memory_space<hbm>>
      %dma_start3A_15 = tpu.memref_squeeze %dma_start3A_14 : memref<1x1x80x128xi32, #tpu.memory_space<hbm>> -> memref<80x128xi32, #tpu.memory_space<hbm>>
      %dma_start3A_16 = arith.constant 0 : i32
      %dma_start3A_17 = arith.constant 0 : i32
      %dma_start3A_18 = tpu.memref_slice %arg2[%run_scoped3A_3, %add3A, %dma_start3A_16, %dma_start3A_17] : memref<2x32x80x128xi32, #tpu.memory_space<hbm>> -> memref<1x1x80x128xi32, #tpu.memory_space<hbm>>
      %dma_start3A_19 = tpu.memref_squeeze %dma_start3A_18 : memref<1x1x80x128xi32, #tpu.memory_space<hbm>> -> memref<80x128xi32, #tpu.memory_space<hbm>>
      tpu.enqueue_dma source(%dma_start3A_19 : memref<80x128xi32, #tpu.memory_space<hbm>>) target(%arg7 : memref<80x128xi32, #tpu.memory_space<vmem>>) target_semaphore(%run_scoped3A_12 : memref<!tpu.dma_semaphore, #tpu.memory_space<semaphore_mem>>)
      %dma_wait3A = arith.constant 0 : i32
      %dma_wait3A_20 = arith.constant 0 : i32
      %dma_wait3A_21 = tpu.memref_slice %arg2[%run_scoped3A_3, %add3A, %dma_wait3A, %dma_wait3A_20] : memref<2x32x80x128xi32, #tpu.memory_space<hbm>> -> memref<1x1x80x128xi32, #tpu.memory_space<hbm>>
      %dma_wait3A_22 = tpu.memref_squeeze %dma_wait3A_21 : memref<1x1x80x128xi32, #tpu.memory_space<hbm>> -> memref<80x128xi32, #tpu.memory_space<hbm>>
      %dma_wait3A_23 = arith.constant 0 : i32
      %dma_wait3A_24 = arith.constant 0 : i32
      %dma_wait3A_25 = tpu.memref_slice %arg2[%run_scoped3A_3, %add3A, %dma_wait3A_23, %dma_wait3A_24] : memref<2x32x80x128xi32, #tpu.memory_space<hbm>> -> memref<1x1x80x128xi32, #tpu.memory_space<hbm>>
      %dma_wait3A_26 = tpu.memref_squeeze %dma_wait3A_25 : memref<1x1x80x128xi32, #tpu.memory_space<hbm>> -> memref<80x128xi32, #tpu.memory_space<hbm>>
      tpu.wait_dma2 semaphore(%run_scoped3A_12 : memref<!tpu.dma_semaphore, #tpu.memory_space<semaphore_mem>>) src(%dma_wait3A_26 : memref<80x128xi32, #tpu.memory_space<hbm>>) dst(%arg7 : memref<80x128xi32, #tpu.memory_space<vmem>>)
      tpu.yield
    }) : () -> ()
    "tpu.region"() ({
      %run_scoped3A_12 = tpu.sem_alloc : memref<!tpu.dma_semaphore, #tpu.memory_space<semaphore_mem>>
      tpu.enqueue_dma source(%arg3 : memref<128xf32, #tpu.memory_space<hbm>>) target(%arg8 : memref<128xf32, #tpu.memory_space<vmem>>) target_semaphore(%run_scoped3A_12 : memref<!tpu.dma_semaphore, #tpu.memory_space<semaphore_mem>>)
      tpu.wait_dma2 semaphore(%run_scoped3A_12 : memref<!tpu.dma_semaphore, #tpu.memory_space<semaphore_mem>>) src(%arg3 : memref<128xf32, #tpu.memory_space<hbm>>) dst(%arg8 : memref<128xf32, #tpu.memory_space<vmem>>)
      tpu.yield
    }) : () -> ()
    %barrier3A = arith.constant 0 : index
    tpu.barrier barrier_id(%barrier3A)
    %scan3A = arith.constant 0 : i32
    %scan3A_4 = arith.constant 0 : i32
    %scan3A_5 = arith.constant 80 : i32
    %scan3A_6 = arith.addi %scan3A_4, %scan3A_5 : i32
    %scan3A_7 = arith.constant 1 : i32
    scf.for %scan3A_12 = %scan3A_4 to %scan3A_6 step %scan3A_7  : i32 {
      "tpu.region"() ({
        %run_scoped3A_13 = tpu.sem_alloc : memref<!tpu.dma_semaphore, #tpu.memory_space<semaphore_mem>>
        %dma_start3A = arith.constant 0 : i32
        %dma_start3A_14 = tpu.memref_slice %arg6[%scan3A_12, %dma_start3A] : memref<80x128xi32, #tpu.memory_space<vmem>> -> memref<1x128xi32, #tpu.memory_space<vmem>>
        %dma_start3A_15 = tpu.memref_squeeze %dma_start3A_14 : memref<1x128xi32, #tpu.memory_space<vmem>> -> memref<128xi32, #tpu.memory_space<vmem>>
        %dma_start3A_16 = arith.constant 0 : i32
        %dma_start3A_17 = tpu.memref_slice %arg9[%dma_start3A_16] : memref<10240xf32, #tpu.memory_space<vmem_shared>> -> memref<10240xf32, #tpu.memory_space<vmem_shared>>
        tpu.enqueue_indirect_dma source(%arg8 : memref<128xf32, #tpu.memory_space<vmem>>) target(%dma_start3A_17 : memref<10240xf32, #tpu.memory_space<vmem_shared>>) offsets(%dma_start3A_15 : memref<128xi32, #tpu.memory_space<vmem>>) semaphore(%run_scoped3A_13 : memref<!tpu.dma_semaphore, #tpu.memory_space<semaphore_mem>>) {add = true}
        %dma_wait3A = arith.constant 0 : i32
        %dma_wait3A_18 = tpu.memref_slice %arg6[%scan3A_12, %dma_wait3A] : memref<80x128xi32, #tpu.memory_space<vmem>> -> memref<1x128xi32, #tpu.memory_space<vmem>>
        %dma_wait3A_19 = tpu.memref_squeeze %dma_wait3A_18 : memref<1x128xi32, #tpu.memory_space<vmem>> -> memref<128xi32, #tpu.memory_space<vmem>>
        %dma_wait3A_20 = arith.constant 0 : i32
        %dma_wait3A_21 = tpu.memref_slice %arg9[%dma_wait3A_20] : memref<10240xf32, #tpu.memory_space<vmem_shared>> -> memref<10240xf32, #tpu.memory_space<vmem_shared>>
        tpu.wait_indirect_dma semaphore(%run_scoped3A_13 : memref<!tpu.dma_semaphore, #tpu.memory_space<semaphore_mem>>) src(%arg8 : memref<128xf32, #tpu.memory_space<vmem>>) dst(%dma_wait3A_21 : memref<10240xf32, #tpu.memory_space<vmem_shared>>)
        tpu.yield
      }) : () -> ()
      "tpu.region"() ({
        %run_scoped3A_13 = tpu.sem_alloc : memref<!tpu.dma_semaphore, #tpu.memory_space<semaphore_mem>>
        %dma_start3A = arith.constant 0 : i32
        %dma_start3A_14 = tpu.memref_slice %arg7[%scan3A_12, %dma_start3A] : memref<80x128xi32, #tpu.memory_space<vmem>> -> memref<1x128xi32, #tpu.memory_space<vmem>>
        %dma_start3A_15 = tpu.memref_squeeze %dma_start3A_14 : memref<1x128xi32, #tpu.memory_space<vmem>> -> memref<128xi32, #tpu.memory_space<vmem>>
        %dma_start3A_16 = arith.constant 0 : i32
        %dma_start3A_17 = tpu.memref_slice %arg10[%dma_start3A_16] : memref<10240xf32, #tpu.memory_space<vmem_shared>> -> memref<10240xf32, #tpu.memory_space<vmem_shared>>
        tpu.enqueue_indirect_dma source(%arg8 : memref<128xf32, #tpu.memory_space<vmem>>) target(%dma_start3A_17 : memref<10240xf32, #tpu.memory_space<vmem_shared>>) offsets(%dma_start3A_15 : memref<128xi32, #tpu.memory_space<vmem>>) semaphore(%run_scoped3A_13 : memref<!tpu.dma_semaphore, #tpu.memory_space<semaphore_mem>>) {add = true}
        %dma_wait3A = arith.constant 0 : i32
        %dma_wait3A_18 = tpu.memref_slice %arg7[%scan3A_12, %dma_wait3A] : memref<80x128xi32, #tpu.memory_space<vmem>> -> memref<1x128xi32, #tpu.memory_space<vmem>>
        %dma_wait3A_19 = tpu.memref_squeeze %dma_wait3A_18 : memref<1x128xi32, #tpu.memory_space<vmem>> -> memref<128xi32, #tpu.memory_space<vmem>>
        %dma_wait3A_20 = arith.constant 0 : i32
        %dma_wait3A_21 = tpu.memref_slice %arg10[%dma_wait3A_20] : memref<10240xf32, #tpu.memory_space<vmem_shared>> -> memref<10240xf32, #tpu.memory_space<vmem_shared>>
        tpu.wait_indirect_dma semaphore(%run_scoped3A_13 : memref<!tpu.dma_semaphore, #tpu.memory_space<semaphore_mem>>) src(%arg8 : memref<128xf32, #tpu.memory_space<vmem>>) dst(%dma_wait3A_21 : memref<10240xf32, #tpu.memory_space<vmem_shared>>)
        tpu.yield
      }) : () -> ()
    }
    %scan3A_8 = arith.constant 80 : i32
    %barrier3A_9 = arith.constant 0 : index
    tpu.barrier barrier_id(%barrier3A_9)
    %run_scoped3A_10 = arith.constant 0 : i32
    "tpu.region"() ({
      %run_scoped3A_12 = tpu.sem_alloc : memref<!tpu.dma_semaphore, #tpu.memory_space<semaphore_mem>>
      %dma_start3A = tpu.memref_slice %arg5[%arg0, %run_scoped3A_10, %mul3A_2] : memref<2x2x10240xf32, #tpu.memory_space<hbm>> -> memref<1x1x640xf32, #tpu.memory_space<hbm>>
      %dma_start3A_13 = tpu.memref_squeeze %dma_start3A : memref<1x1x640xf32, #tpu.memory_space<hbm>> -> memref<640xf32, #tpu.memory_space<hbm>>
      %dma_start3A_14 = tpu.memref_slice %arg9[%mul3A_2] : memref<10240xf32, #tpu.memory_space<vmem_shared>> -> memref<640xf32, #tpu.memory_space<vmem_shared>>
      tpu.enqueue_dma source(%dma_start3A_14 : memref<640xf32, #tpu.memory_space<vmem_shared>>) target(%dma_start3A_13 : memref<640xf32, #tpu.memory_space<hbm>>) target_semaphore(%run_scoped3A_12 : memref<!tpu.dma_semaphore, #tpu.memory_space<semaphore_mem>>)
      %dma_wait3A = tpu.memref_slice %arg5[%arg0, %run_scoped3A_10, %mul3A_2] : memref<2x2x10240xf32, #tpu.memory_space<hbm>> -> memref<1x1x640xf32, #tpu.memory_space<hbm>>
      %dma_wait3A_15 = tpu.memref_squeeze %dma_wait3A : memref<1x1x640xf32, #tpu.memory_space<hbm>> -> memref<640xf32, #tpu.memory_space<hbm>>
      %dma_wait3A_16 = tpu.memref_slice %arg9[%mul3A_2] : memref<10240xf32, #tpu.memory_space<vmem_shared>> -> memref<640xf32, #tpu.memory_space<vmem_shared>>
      tpu.wait_dma2 semaphore(%run_scoped3A_12 : memref<!tpu.dma_semaphore, #tpu.memory_space<semaphore_mem>>) src(%dma_wait3A_16 : memref<640xf32, #tpu.memory_space<vmem_shared>>) dst(%dma_wait3A_15 : memref<640xf32, #tpu.memory_space<hbm>>)
      tpu.yield
    }) : () -> ()
    %run_scoped3A_11 = arith.constant 1 : i32
    "tpu.region"() ({
      %run_scoped3A_12 = tpu.sem_alloc : memref<!tpu.dma_semaphore, #tpu.memory_space<semaphore_mem>>
      %dma_start3A = tpu.memref_slice %arg5[%arg0, %run_scoped3A_11, %mul3A_2] : memref<2x2x10240xf32, #tpu.memory_space<hbm>> -> memref<1x1x640xf32, #tpu.memory_space<hbm>>
      %dma_start3A_13 = tpu.memref_squeeze %dma_start3A : memref<1x1x640xf32, #tpu.memory_space<hbm>> -> memref<640xf32, #tpu.memory_space<hbm>>
      %dma_start3A_14 = tpu.memref_slice %arg10[%mul3A_2] : memref<10240xf32, #tpu.memory_space<vmem_shared>> -> memref<640xf32, #tpu.memory_space<vmem_shared>>
      tpu.enqueue_dma source(%dma_start3A_14 : memref<640xf32, #tpu.memory_space<vmem_shared>>) target(%dma_start3A_13 : memref<640xf32, #tpu.memory_space<hbm>>) target_semaphore(%run_scoped3A_12 : memref<!tpu.dma_semaphore, #tpu.memory_space<semaphore_mem>>)
      %dma_wait3A = tpu.memref_slice %arg5[%arg0, %run_scoped3A_11, %mul3A_2] : memref<2x2x10240xf32, #tpu.memory_space<hbm>> -> memref<1x1x640xf32, #tpu.memory_space<hbm>>
      %dma_wait3A_15 = tpu.memref_squeeze %dma_wait3A : memref<1x1x640xf32, #tpu.memory_space<hbm>> -> memref<640xf32, #tpu.memory_space<hbm>>
      %dma_wait3A_16 = tpu.memref_slice %arg10[%mul3A_2] : memref<10240xf32, #tpu.memory_space<vmem_shared>> -> memref<640xf32, #tpu.memory_space<vmem_shared>>
      tpu.wait_dma2 semaphore(%run_scoped3A_12 : memref<!tpu.dma_semaphore, #tpu.memory_space<semaphore_mem>>) src(%dma_wait3A_16 : memref<640xf32, #tpu.memory_space<vmem_shared>>) dst(%dma_wait3A_15 : memref<640xf32, #tpu.memory_space<hbm>>)
      tpu.yield
    }) : () -> ()
    return
  }
}

#map = affine_map<(d0, d1) -> (0, 0)>
#map1 = affine_map<(d0, d1) -> (0, 0, 0, 0)>
#map2 = affine_map<(d0, d1) -> (0, 0, 0)>
module attributes {stable_mosaic.version = 14 : i64} {
  func.func @_conv_kernel(%arg0: i32, %arg1: i32, %arg2: memref<10000x128xf32, #tpu.memory_space<hbm>>, %arg3: memref<2x32x80x128xi32, #tpu.memory_space<hbm>>, %arg4: memref<128x128xf32, #tpu.memory_space<hbm>>, %arg5: memref<2x10240x128xf32, #tpu.memory_space<hbm>>, %arg6: memref<40x128xi32, #tpu.memory_space<vmem>>, %arg7: memref<40x128xi32, #tpu.memory_space<vmem>>, %arg8: memref<128x128xf32, #tpu.memory_space<vmem>>, %arg9: memref<128x128xf32, #tpu.memory_space<vmem>>, %arg10: memref<10240x128xf32, #tpu.memory_space<vmem_shared>>, %arg11: memref<!tpu.dma_semaphore, #tpu.memory_space<semaphore_mem>>, %arg12: memref<!tpu.dma_semaphore, #tpu.memory_space<semaphore_mem>>) attributes {dimension_semantics = [#tpu.dimension_semantics<core_parallel>, #tpu.dimension_semantics<subcore_parallel>], iteration_bounds = array<i64: 2, 16>, scalar_prefetch = 0 : i64, scratch_operands = 7 : i64, tpu.core_type = #tpu.core_type<sc_vector_subcore>, window_params = [{transform_indices = #map}, {transform_indices = #map1}, {transform_indices = #map}, {transform_indices = #map2}]} {
    %mul3A = arith.constant 16 : i32
    %mul3A_0 = arith.muli %arg0, %mul3A : i32
    %add3A = arith.addi %mul3A_0, %arg1 : i32
    %mul3A_1 = arith.constant 640 : i32
    %mul3A_2 = arith.muli %arg1, %mul3A_1 : i32
    "tpu.region"() ({
      %run_scoped3A_144 = tpu.sem_alloc : memref<!tpu.dma_semaphore, #tpu.memory_space<semaphore_mem>>
      tpu.enqueue_dma source(%arg4 : memref<128x128xf32, #tpu.memory_space<hbm>>) target(%arg8 : memref<128x128xf32, #tpu.memory_space<vmem>>) target_semaphore(%run_scoped3A_144 : memref<!tpu.dma_semaphore, #tpu.memory_space<semaphore_mem>>)
      tpu.wait_dma2 semaphore(%run_scoped3A_144 : memref<!tpu.dma_semaphore, #tpu.memory_space<semaphore_mem>>) src(%arg4 : memref<128x128xf32, #tpu.memory_space<hbm>>) dst(%arg8 : memref<128x128xf32, #tpu.memory_space<vmem>>)
      tpu.yield
    }) : () -> ()
    %mul3A_3 = arith.constant 640 : i32
    %mul3A_4 = arith.muli %arg1, %mul3A_3 : i32
    %add3A_5 = arith.constant 0 : i32
    %add3A_6 = arith.addi %mul3A_4, %add3A_5 : i32
    %dma_start3A = arith.constant 0 : i32
    %dma_start3A_7 = tpu.memref_slice %arg10[%add3A_6, %dma_start3A] : memref<10240x128xf32, #tpu.memory_space<vmem_shared>> -> memref<128x128xf32, #tpu.memory_space<vmem_shared>>
    %dma_start3A_8 = arith.constant 0 : i32
    %dma_start3A_9 = tpu.memref_slice %arg10[%add3A_6, %dma_start3A_8] : memref<10240x128xf32, #tpu.memory_space<vmem_shared>> -> memref<128x128xf32, #tpu.memory_space<vmem_shared>>
    tpu.enqueue_dma source(%arg8 : memref<128x128xf32, #tpu.memory_space<vmem>>) target(%dma_start3A_9 : memref<128x128xf32, #tpu.memory_space<vmem_shared>>) target_semaphore(%arg11 : memref<!tpu.dma_semaphore, #tpu.memory_space<semaphore_mem>>)
    %mul3A_10 = arith.constant 640 : i32
    %mul3A_11 = arith.muli %arg1, %mul3A_10 : i32
    %add3A_12 = arith.constant 128 : i32
    %add3A_13 = arith.addi %mul3A_11, %add3A_12 : i32
    %dma_start3A_14 = arith.constant 0 : i32
    %dma_start3A_15 = tpu.memref_slice %arg10[%add3A_13, %dma_start3A_14] : memref<10240x128xf32, #tpu.memory_space<vmem_shared>> -> memref<128x128xf32, #tpu.memory_space<vmem_shared>>
    %dma_start3A_16 = arith.constant 0 : i32
    %dma_start3A_17 = tpu.memref_slice %arg10[%add3A_13, %dma_start3A_16] : memref<10240x128xf32, #tpu.memory_space<vmem_shared>> -> memref<128x128xf32, #tpu.memory_space<vmem_shared>>
    tpu.enqueue_dma source(%arg8 : memref<128x128xf32, #tpu.memory_space<vmem>>) target(%dma_start3A_17 : memref<128x128xf32, #tpu.memory_space<vmem_shared>>) target_semaphore(%arg11 : memref<!tpu.dma_semaphore, #tpu.memory_space<semaphore_mem>>)
    %mul3A_18 = arith.constant 640 : i32
    %mul3A_19 = arith.muli %arg1, %mul3A_18 : i32
    %add3A_20 = arith.constant 256 : i32
    %add3A_21 = arith.addi %mul3A_19, %add3A_20 : i32
    %dma_start3A_22 = arith.constant 0 : i32
    %dma_start3A_23 = tpu.memref_slice %arg10[%add3A_21, %dma_start3A_22] : memref<10240x128xf32, #tpu.memory_space<vmem_shared>> -> memref<128x128xf32, #tpu.memory_space<vmem_shared>>
    %dma_start3A_24 = arith.constant 0 : i32
    %dma_start3A_25 = tpu.memref_slice %arg10[%add3A_21, %dma_start3A_24] : memref<10240x128xf32, #tpu.memory_space<vmem_shared>> -> memref<128x128xf32, #tpu.memory_space<vmem_shared>>
    tpu.enqueue_dma source(%arg8 : memref<128x128xf32, #tpu.memory_space<vmem>>) target(%dma_start3A_25 : memref<128x128xf32, #tpu.memory_space<vmem_shared>>) target_semaphore(%arg11 : memref<!tpu.dma_semaphore, #tpu.memory_space<semaphore_mem>>)
    %mul3A_26 = arith.constant 640 : i32
    %mul3A_27 = arith.muli %arg1, %mul3A_26 : i32
    %add3A_28 = arith.constant 384 : i32
    %add3A_29 = arith.addi %mul3A_27, %add3A_28 : i32
    %dma_start3A_30 = arith.constant 0 : i32
    %dma_start3A_31 = tpu.memref_slice %arg10[%add3A_29, %dma_start3A_30] : memref<10240x128xf32, #tpu.memory_space<vmem_shared>> -> memref<128x128xf32, #tpu.memory_space<vmem_shared>>
    %dma_start3A_32 = arith.constant 0 : i32
    %dma_start3A_33 = tpu.memref_slice %arg10[%add3A_29, %dma_start3A_32] : memref<10240x128xf32, #tpu.memory_space<vmem_shared>> -> memref<128x128xf32, #tpu.memory_space<vmem_shared>>
    tpu.enqueue_dma source(%arg8 : memref<128x128xf32, #tpu.memory_space<vmem>>) target(%dma_start3A_33 : memref<128x128xf32, #tpu.memory_space<vmem_shared>>) target_semaphore(%arg11 : memref<!tpu.dma_semaphore, #tpu.memory_space<semaphore_mem>>)
    %mul3A_34 = arith.constant 640 : i32
    %mul3A_35 = arith.muli %arg1, %mul3A_34 : i32
    %add3A_36 = arith.constant 512 : i32
    %add3A_37 = arith.addi %mul3A_35, %add3A_36 : i32
    %dma_start3A_38 = arith.constant 0 : i32
    %dma_start3A_39 = tpu.memref_slice %arg10[%add3A_37, %dma_start3A_38] : memref<10240x128xf32, #tpu.memory_space<vmem_shared>> -> memref<128x128xf32, #tpu.memory_space<vmem_shared>>
    %dma_start3A_40 = arith.constant 0 : i32
    %dma_start3A_41 = tpu.memref_slice %arg10[%add3A_37, %dma_start3A_40] : memref<10240x128xf32, #tpu.memory_space<vmem_shared>> -> memref<128x128xf32, #tpu.memory_space<vmem_shared>>
    tpu.enqueue_dma source(%arg8 : memref<128x128xf32, #tpu.memory_space<vmem>>) target(%dma_start3A_41 : memref<128x128xf32, #tpu.memory_space<vmem_shared>>) target_semaphore(%arg11 : memref<!tpu.dma_semaphore, #tpu.memory_space<semaphore_mem>>)
    %dma_start3A_42 = arith.constant 0 : i32
    %dma_start3A_43 = arith.constant 0 : i32
    %dma_start3A_44 = arith.constant 0 : i32
    %dma_start3A_45 = tpu.memref_slice %arg3[%dma_start3A_42, %add3A, %dma_start3A_43, %dma_start3A_44] : memref<2x32x80x128xi32, #tpu.memory_space<hbm>> -> memref<1x1x40x128xi32, #tpu.memory_space<hbm>>
    %dma_start3A_46 = tpu.memref_squeeze %dma_start3A_45 : memref<1x1x40x128xi32, #tpu.memory_space<hbm>> -> memref<40x128xi32, #tpu.memory_space<hbm>>
    %dma_start3A_47 = arith.constant 0 : i32
    %dma_start3A_48 = arith.constant 0 : i32
    %dma_start3A_49 = tpu.memref_slice %arg3[%dma_start3A_42, %add3A, %dma_start3A_47, %dma_start3A_48] : memref<2x32x80x128xi32, #tpu.memory_space<hbm>> -> memref<1x1x40x128xi32, #tpu.memory_space<hbm>>
    %dma_start3A_50 = tpu.memref_squeeze %dma_start3A_49 : memref<1x1x40x128xi32, #tpu.memory_space<hbm>> -> memref<40x128xi32, #tpu.memory_space<hbm>>
    tpu.enqueue_dma source(%dma_start3A_50 : memref<40x128xi32, #tpu.memory_space<hbm>>) target(%arg6 : memref<40x128xi32, #tpu.memory_space<vmem>>) target_semaphore(%arg12 : memref<!tpu.dma_semaphore, #tpu.memory_space<semaphore_mem>>)
    %dma_start3A_51 = arith.constant 1 : i32
    %dma_start3A_52 = arith.constant 0 : i32
    %dma_start3A_53 = arith.constant 0 : i32
    %dma_start3A_54 = tpu.memref_slice %arg3[%dma_start3A_51, %add3A, %dma_start3A_52, %dma_start3A_53] : memref<2x32x80x128xi32, #tpu.memory_space<hbm>> -> memref<1x1x40x128xi32, #tpu.memory_space<hbm>>
    %dma_start3A_55 = tpu.memref_squeeze %dma_start3A_54 : memref<1x1x40x128xi32, #tpu.memory_space<hbm>> -> memref<40x128xi32, #tpu.memory_space<hbm>>
    %dma_start3A_56 = arith.constant 0 : i32
    %dma_start3A_57 = arith.constant 0 : i32
    %dma_start3A_58 = tpu.memref_slice %arg3[%dma_start3A_51, %add3A, %dma_start3A_56, %dma_start3A_57] : memref<2x32x80x128xi32, #tpu.memory_space<hbm>> -> memref<1x1x40x128xi32, #tpu.memory_space<hbm>>
    %dma_start3A_59 = tpu.memref_squeeze %dma_start3A_58 : memref<1x1x40x128xi32, #tpu.memory_space<hbm>> -> memref<40x128xi32, #tpu.memory_space<hbm>>
    tpu.enqueue_dma source(%dma_start3A_59 : memref<40x128xi32, #tpu.memory_space<hbm>>) target(%arg7 : memref<40x128xi32, #tpu.memory_space<vmem>>) target_semaphore(%arg12 : memref<!tpu.dma_semaphore, #tpu.memory_space<semaphore_mem>>)
    %mul3A_60 = arith.constant 640 : i32
    %mul3A_61 = arith.muli %arg1, %mul3A_60 : i32
    %add3A_62 = arith.constant 0 : i32
    %add3A_63 = arith.addi %mul3A_61, %add3A_62 : i32
    %dma_wait3A = arith.constant 0 : i32
    %dma_wait3A_64 = tpu.memref_slice %arg10[%add3A_63, %dma_wait3A] : memref<10240x128xf32, #tpu.memory_space<vmem_shared>> -> memref<128x128xf32, #tpu.memory_space<vmem_shared>>
    %dma_wait3A_65 = arith.constant 0 : i32
    %dma_wait3A_66 = tpu.memref_slice %arg10[%add3A_63, %dma_wait3A_65] : memref<10240x128xf32, #tpu.memory_space<vmem_shared>> -> memref<128x128xf32, #tpu.memory_space<vmem_shared>>
    tpu.wait_dma2 semaphore(%arg11 : memref<!tpu.dma_semaphore, #tpu.memory_space<semaphore_mem>>) src(%arg8 : memref<128x128xf32, #tpu.memory_space<vmem>>) dst(%dma_wait3A_66 : memref<128x128xf32, #tpu.memory_space<vmem_shared>>)
    %mul3A_67 = arith.constant 640 : i32
    %mul3A_68 = arith.muli %arg1, %mul3A_67 : i32
    %add3A_69 = arith.constant 128 : i32
    %add3A_70 = arith.addi %mul3A_68, %add3A_69 : i32
    %dma_wait3A_71 = arith.constant 0 : i32
    %dma_wait3A_72 = tpu.memref_slice %arg10[%add3A_70, %dma_wait3A_71] : memref<10240x128xf32, #tpu.memory_space<vmem_shared>> -> memref<128x128xf32, #tpu.memory_space<vmem_shared>>
    %dma_wait3A_73 = arith.constant 0 : i32
    %dma_wait3A_74 = tpu.memref_slice %arg10[%add3A_70, %dma_wait3A_73] : memref<10240x128xf32, #tpu.memory_space<vmem_shared>> -> memref<128x128xf32, #tpu.memory_space<vmem_shared>>
    tpu.wait_dma2 semaphore(%arg11 : memref<!tpu.dma_semaphore, #tpu.memory_space<semaphore_mem>>) src(%arg8 : memref<128x128xf32, #tpu.memory_space<vmem>>) dst(%dma_wait3A_74 : memref<128x128xf32, #tpu.memory_space<vmem_shared>>)
    %mul3A_75 = arith.constant 640 : i32
    %mul3A_76 = arith.muli %arg1, %mul3A_75 : i32
    %add3A_77 = arith.constant 256 : i32
    %add3A_78 = arith.addi %mul3A_76, %add3A_77 : i32
    %dma_wait3A_79 = arith.constant 0 : i32
    %dma_wait3A_80 = tpu.memref_slice %arg10[%add3A_78, %dma_wait3A_79] : memref<10240x128xf32, #tpu.memory_space<vmem_shared>> -> memref<128x128xf32, #tpu.memory_space<vmem_shared>>
    %dma_wait3A_81 = arith.constant 0 : i32
    %dma_wait3A_82 = tpu.memref_slice %arg10[%add3A_78, %dma_wait3A_81] : memref<10240x128xf32, #tpu.memory_space<vmem_shared>> -> memref<128x128xf32, #tpu.memory_space<vmem_shared>>
    tpu.wait_dma2 semaphore(%arg11 : memref<!tpu.dma_semaphore, #tpu.memory_space<semaphore_mem>>) src(%arg8 : memref<128x128xf32, #tpu.memory_space<vmem>>) dst(%dma_wait3A_82 : memref<128x128xf32, #tpu.memory_space<vmem_shared>>)
    %mul3A_83 = arith.constant 640 : i32
    %mul3A_84 = arith.muli %arg1, %mul3A_83 : i32
    %add3A_85 = arith.constant 384 : i32
    %add3A_86 = arith.addi %mul3A_84, %add3A_85 : i32
    %dma_wait3A_87 = arith.constant 0 : i32
    %dma_wait3A_88 = tpu.memref_slice %arg10[%add3A_86, %dma_wait3A_87] : memref<10240x128xf32, #tpu.memory_space<vmem_shared>> -> memref<128x128xf32, #tpu.memory_space<vmem_shared>>
    %dma_wait3A_89 = arith.constant 0 : i32
    %dma_wait3A_90 = tpu.memref_slice %arg10[%add3A_86, %dma_wait3A_89] : memref<10240x128xf32, #tpu.memory_space<vmem_shared>> -> memref<128x128xf32, #tpu.memory_space<vmem_shared>>
    tpu.wait_dma2 semaphore(%arg11 : memref<!tpu.dma_semaphore, #tpu.memory_space<semaphore_mem>>) src(%arg8 : memref<128x128xf32, #tpu.memory_space<vmem>>) dst(%dma_wait3A_90 : memref<128x128xf32, #tpu.memory_space<vmem_shared>>)
    %mul3A_91 = arith.constant 640 : i32
    %mul3A_92 = arith.muli %arg1, %mul3A_91 : i32
    %add3A_93 = arith.constant 512 : i32
    %add3A_94 = arith.addi %mul3A_92, %add3A_93 : i32
    %dma_wait3A_95 = arith.constant 0 : i32
    %dma_wait3A_96 = tpu.memref_slice %arg10[%add3A_94, %dma_wait3A_95] : memref<10240x128xf32, #tpu.memory_space<vmem_shared>> -> memref<128x128xf32, #tpu.memory_space<vmem_shared>>
    %dma_wait3A_97 = arith.constant 0 : i32
    %dma_wait3A_98 = tpu.memref_slice %arg10[%add3A_94, %dma_wait3A_97] : memref<10240x128xf32, #tpu.memory_space<vmem_shared>> -> memref<128x128xf32, #tpu.memory_space<vmem_shared>>
    tpu.wait_dma2 semaphore(%arg11 : memref<!tpu.dma_semaphore, #tpu.memory_space<semaphore_mem>>) src(%arg8 : memref<128x128xf32, #tpu.memory_space<vmem>>) dst(%dma_wait3A_98 : memref<128x128xf32, #tpu.memory_space<vmem_shared>>)
    %dma_wait3A_99 = arith.constant 0 : i32
    %dma_wait3A_100 = arith.constant 0 : i32
    %dma_wait3A_101 = arith.constant 0 : i32
    %dma_wait3A_102 = tpu.memref_slice %arg3[%dma_wait3A_99, %add3A, %dma_wait3A_100, %dma_wait3A_101] : memref<2x32x80x128xi32, #tpu.memory_space<hbm>> -> memref<1x1x40x128xi32, #tpu.memory_space<hbm>>
    %dma_wait3A_103 = tpu.memref_squeeze %dma_wait3A_102 : memref<1x1x40x128xi32, #tpu.memory_space<hbm>> -> memref<40x128xi32, #tpu.memory_space<hbm>>
    %dma_wait3A_104 = arith.constant 0 : i32
    %dma_wait3A_105 = arith.constant 0 : i32
    %dma_wait3A_106 = tpu.memref_slice %arg3[%dma_wait3A_99, %add3A, %dma_wait3A_104, %dma_wait3A_105] : memref<2x32x80x128xi32, #tpu.memory_space<hbm>> -> memref<1x1x40x128xi32, #tpu.memory_space<hbm>>
    %dma_wait3A_107 = tpu.memref_squeeze %dma_wait3A_106 : memref<1x1x40x128xi32, #tpu.memory_space<hbm>> -> memref<40x128xi32, #tpu.memory_space<hbm>>
    tpu.wait_dma2 semaphore(%arg12 : memref<!tpu.dma_semaphore, #tpu.memory_space<semaphore_mem>>) src(%dma_wait3A_107 : memref<40x128xi32, #tpu.memory_space<hbm>>) dst(%arg6 : memref<40x128xi32, #tpu.memory_space<vmem>>)
    %dma_wait3A_108 = arith.constant 1 : i32
    %dma_wait3A_109 = arith.constant 0 : i32
    %dma_wait3A_110 = arith.constant 0 : i32
    %dma_wait3A_111 = tpu.memref_slice %arg3[%dma_wait3A_108, %add3A, %dma_wait3A_109, %dma_wait3A_110] : memref<2x32x80x128xi32, #tpu.memory_space<hbm>> -> memref<1x1x40x128xi32, #tpu.memory_space<hbm>>
    %dma_wait3A_112 = tpu.memref_squeeze %dma_wait3A_111 : memref<1x1x40x128xi32, #tpu.memory_space<hbm>> -> memref<40x128xi32, #tpu.memory_space<hbm>>
    %dma_wait3A_113 = arith.constant 0 : i32
    %dma_wait3A_114 = arith.constant 0 : i32
    %dma_wait3A_115 = tpu.memref_slice %arg3[%dma_wait3A_108, %add3A, %dma_wait3A_113, %dma_wait3A_114] : memref<2x32x80x128xi32, #tpu.memory_space<hbm>> -> memref<1x1x40x128xi32, #tpu.memory_space<hbm>>
    %dma_wait3A_116 = tpu.memref_squeeze %dma_wait3A_115 : memref<1x1x40x128xi32, #tpu.memory_space<hbm>> -> memref<40x128xi32, #tpu.memory_space<hbm>>
    tpu.wait_dma2 semaphore(%arg12 : memref<!tpu.dma_semaphore, #tpu.memory_space<semaphore_mem>>) src(%dma_wait3A_116 : memref<40x128xi32, #tpu.memory_space<hbm>>) dst(%arg7 : memref<40x128xi32, #tpu.memory_space<vmem>>)
    %barrier3A = arith.constant 0 : index
    tpu.barrier barrier_id(%barrier3A)
    %dma_start3A_117 = arith.constant 0 : i32
    %dma_start3A_118 = arith.constant 0 : i32
    %dma_start3A_119 = tpu.memref_slice %arg6[%dma_start3A_117, %dma_start3A_118] : memref<40x128xi32, #tpu.memory_space<vmem>> -> memref<1x128xi32, #tpu.memory_space<vmem>>
    %dma_start3A_120 = tpu.memref_squeeze %dma_start3A_119 : memref<1x128xi32, #tpu.memory_space<vmem>> -> memref<128xi32, #tpu.memory_space<vmem>>
    %dma_start3A_121 = arith.constant 0 : i32
    %dma_start3A_122 = arith.constant 0 : i32
    %dma_start3A_123 = tpu.memref_slice %arg2[%dma_start3A_121, %dma_start3A_122] : memref<10000x128xf32, #tpu.memory_space<hbm>> -> memref<10000x128xf32, #tpu.memory_space<hbm>>
    tpu.enqueue_indirect_dma source(%dma_start3A_123 : memref<10000x128xf32, #tpu.memory_space<hbm>>) target(%arg8 : memref<128x128xf32, #tpu.memory_space<vmem>>) offsets(%dma_start3A_120 : memref<128xi32, #tpu.memory_space<vmem>>) semaphore(%arg11 : memref<!tpu.dma_semaphore, #tpu.memory_space<semaphore_mem>>)
    %scan3A = arith.constant 0 : i32
    %scan3A_124 = arith.constant 0 : i32
    %scan3A_125 = arith.constant 20 : i32
    %scan3A_126 = arith.addi %scan3A_124, %scan3A_125 : i32
    %scan3A_127 = arith.constant 1 : i32
    scf.for %scan3A_144 = %scan3A_124 to %scan3A_126 step %scan3A_127  : i32 {
      %mul3A_145 = arith.constant 2 : i32
      %mul3A_146 = arith.muli %mul3A_145, %scan3A_144 : i32
      %add3A_147 = arith.constant 1 : i32
      %add3A_148 = arith.addi %mul3A_146, %add3A_147 : i32
      %dma_start3A_149 = arith.constant 0 : i32
      %dma_start3A_150 = tpu.memref_slice %arg6[%add3A_148, %dma_start3A_149] : memref<40x128xi32, #tpu.memory_space<vmem>> -> memref<1x128xi32, #tpu.memory_space<vmem>>
      %dma_start3A_151 = tpu.memref_squeeze %dma_start3A_150 : memref<1x128xi32, #tpu.memory_space<vmem>> -> memref<128xi32, #tpu.memory_space<vmem>>
      %dma_start3A_152 = arith.constant 0 : i32
      %dma_start3A_153 = arith.constant 0 : i32
      %dma_start3A_154 = tpu.memref_slice %arg2[%dma_start3A_152, %dma_start3A_153] : memref<10000x128xf32, #tpu.memory_space<hbm>> -> memref<10000x128xf32, #tpu.memory_space<hbm>>
      tpu.enqueue_indirect_dma source(%dma_start3A_154 : memref<10000x128xf32, #tpu.memory_space<hbm>>) target(%arg9 : memref<128x128xf32, #tpu.memory_space<vmem>>) offsets(%dma_start3A_151 : memref<128xi32, #tpu.memory_space<vmem>>) semaphore(%arg12 : memref<!tpu.dma_semaphore, #tpu.memory_space<semaphore_mem>>)
      %dma_wait3A_155 = arith.constant 0 : i32
      %dma_wait3A_156 = tpu.memref_slice %arg6[%mul3A_146, %dma_wait3A_155] : memref<40x128xi32, #tpu.memory_space<vmem>> -> memref<1x128xi32, #tpu.memory_space<vmem>>
      %dma_wait3A_157 = tpu.memref_squeeze %dma_wait3A_156 : memref<1x128xi32, #tpu.memory_space<vmem>> -> memref<128xi32, #tpu.memory_space<vmem>>
      %dma_wait3A_158 = arith.constant 0 : i32
      %dma_wait3A_159 = arith.constant 0 : i32
      %dma_wait3A_160 = tpu.memref_slice %arg2[%dma_wait3A_158, %dma_wait3A_159] : memref<10000x128xf32, #tpu.memory_space<hbm>> -> memref<10000x128xf32, #tpu.memory_space<hbm>>
      tpu.wait_indirect_dma semaphore(%arg11 : memref<!tpu.dma_semaphore, #tpu.memory_space<semaphore_mem>>) src(%dma_wait3A_160 : memref<10000x128xf32, #tpu.memory_space<hbm>>) dst(%arg8 : memref<128x128xf32, #tpu.memory_space<vmem>>)
      "tpu.region"() ({
        %run_scoped3A_173 = tpu.sem_alloc : memref<!tpu.dma_semaphore, #tpu.memory_space<semaphore_mem>>
        %dma_start3A_174 = arith.constant 0 : i32
        %dma_start3A_175 = tpu.memref_slice %arg7[%mul3A_146, %dma_start3A_174] : memref<40x128xi32, #tpu.memory_space<vmem>> -> memref<1x128xi32, #tpu.memory_space<vmem>>
        %dma_start3A_176 = tpu.memref_squeeze %dma_start3A_175 : memref<1x128xi32, #tpu.memory_space<vmem>> -> memref<128xi32, #tpu.memory_space<vmem>>
        %dma_start3A_177 = arith.constant 0 : i32
        %dma_start3A_178 = arith.constant 0 : i32
        %dma_start3A_179 = tpu.memref_slice %arg10[%dma_start3A_177, %dma_start3A_178] : memref<10240x128xf32, #tpu.memory_space<vmem_shared>> -> memref<10240x128xf32, #tpu.memory_space<vmem_shared>>
        tpu.enqueue_indirect_dma source(%arg8 : memref<128x128xf32, #tpu.memory_space<vmem>>) target(%dma_start3A_179 : memref<10240x128xf32, #tpu.memory_space<vmem_shared>>) offsets(%dma_start3A_176 : memref<128xi32, #tpu.memory_space<vmem>>) semaphore(%run_scoped3A_173 : memref<!tpu.dma_semaphore, #tpu.memory_space<semaphore_mem>>) {add = true}
        %dma_wait3A_180 = arith.constant 0 : i32
        %dma_wait3A_181 = tpu.memref_slice %arg7[%mul3A_146, %dma_wait3A_180] : memref<40x128xi32, #tpu.memory_space<vmem>> -> memref<1x128xi32, #tpu.memory_space<vmem>>
        %dma_wait3A_182 = tpu.memref_squeeze %dma_wait3A_181 : memref<1x128xi32, #tpu.memory_space<vmem>> -> memref<128xi32, #tpu.memory_space<vmem>>
        %dma_wait3A_183 = arith.constant 0 : i32
        %dma_wait3A_184 = arith.constant 0 : i32
        %dma_wait3A_185 = tpu.memref_slice %arg10[%dma_wait3A_183, %dma_wait3A_184] : memref<10240x128xf32, #tpu.memory_space<vmem_shared>> -> memref<10240x128xf32, #tpu.memory_space<vmem_shared>>
        tpu.wait_indirect_dma semaphore(%run_scoped3A_173 : memref<!tpu.dma_semaphore, #tpu.memory_space<semaphore_mem>>) src(%arg8 : memref<128x128xf32, #tpu.memory_space<vmem>>) dst(%dma_wait3A_185 : memref<10240x128xf32, #tpu.memory_space<vmem_shared>>)
        tpu.yield
      }) : () -> ()
      %lt3A = arith.constant 19 : i32
      %lt3A_161 = arith.cmpi slt, %scan3A_144, %lt3A : i32
      %convert_element_type3A = arith.extui %lt3A_161 : i1 to i32
      %cond3A = arith.constant 0 : i32
      %cond3A_162 = arith.cmpi ne, %convert_element_type3A, %cond3A : i32
      scf.if %cond3A_162 {
        %add3A_173 = arith.constant 2 : i32
        %add3A_174 = arith.addi %mul3A_146, %add3A_173 : i32
        %dma_start3A_175 = arith.constant 0 : i32
        %dma_start3A_176 = tpu.memref_slice %arg6[%add3A_174, %dma_start3A_175] : memref<40x128xi32, #tpu.memory_space<vmem>> -> memref<1x128xi32, #tpu.memory_space<vmem>>
        %dma_start3A_177 = tpu.memref_squeeze %dma_start3A_176 : memref<1x128xi32, #tpu.memory_space<vmem>> -> memref<128xi32, #tpu.memory_space<vmem>>
        %dma_start3A_178 = arith.constant 0 : i32
        %dma_start3A_179 = arith.constant 0 : i32
        %dma_start3A_180 = tpu.memref_slice %arg2[%dma_start3A_178, %dma_start3A_179] : memref<10000x128xf32, #tpu.memory_space<hbm>> -> memref<10000x128xf32, #tpu.memory_space<hbm>>
        tpu.enqueue_indirect_dma source(%dma_start3A_180 : memref<10000x128xf32, #tpu.memory_space<hbm>>) target(%arg8 : memref<128x128xf32, #tpu.memory_space<vmem>>) offsets(%dma_start3A_177 : memref<128xi32, #tpu.memory_space<vmem>>) semaphore(%arg11 : memref<!tpu.dma_semaphore, #tpu.memory_space<semaphore_mem>>)
      } else {
      }
      %add3A_163 = arith.constant 1 : i32
      %add3A_164 = arith.addi %mul3A_146, %add3A_163 : i32
      %dma_wait3A_165 = arith.constant 0 : i32
      %dma_wait3A_166 = tpu.memref_slice %arg6[%add3A_164, %dma_wait3A_165] : memref<40x128xi32, #tpu.memory_space<vmem>> -> memref<1x128xi32, #tpu.memory_space<vmem>>
      %dma_wait3A_167 = tpu.memref_squeeze %dma_wait3A_166 : memref<1x128xi32, #tpu.memory_space<vmem>> -> memref<128xi32, #tpu.memory_space<vmem>>
      %dma_wait3A_168 = arith.constant 0 : i32
      %dma_wait3A_169 = arith.constant 0 : i32
      %dma_wait3A_170 = tpu.memref_slice %arg2[%dma_wait3A_168, %dma_wait3A_169] : memref<10000x128xf32, #tpu.memory_space<hbm>> -> memref<10000x128xf32, #tpu.memory_space<hbm>>
      tpu.wait_indirect_dma semaphore(%arg12 : memref<!tpu.dma_semaphore, #tpu.memory_space<semaphore_mem>>) src(%dma_wait3A_170 : memref<10000x128xf32, #tpu.memory_space<hbm>>) dst(%arg9 : memref<128x128xf32, #tpu.memory_space<vmem>>)
      %add3A_171 = arith.constant 1 : i32
      %add3A_172 = arith.addi %mul3A_146, %add3A_171 : i32
      "tpu.region"() ({
        %run_scoped3A_173 = tpu.sem_alloc : memref<!tpu.dma_semaphore, #tpu.memory_space<semaphore_mem>>
        %dma_start3A_174 = arith.constant 0 : i32
        %dma_start3A_175 = tpu.memref_slice %arg7[%add3A_172, %dma_start3A_174] : memref<40x128xi32, #tpu.memory_space<vmem>> -> memref<1x128xi32, #tpu.memory_space<vmem>>
        %dma_start3A_176 = tpu.memref_squeeze %dma_start3A_175 : memref<1x128xi32, #tpu.memory_space<vmem>> -> memref<128xi32, #tpu.memory_space<vmem>>
        %dma_start3A_177 = arith.constant 0 : i32
        %dma_start3A_178 = arith.constant 0 : i32
        %dma_start3A_179 = tpu.memref_slice %arg10[%dma_start3A_177, %dma_start3A_178] : memref<10240x128xf32, #tpu.memory_space<vmem_shared>> -> memref<10240x128xf32, #tpu.memory_space<vmem_shared>>
        tpu.enqueue_indirect_dma source(%arg9 : memref<128x128xf32, #tpu.memory_space<vmem>>) target(%dma_start3A_179 : memref<10240x128xf32, #tpu.memory_space<vmem_shared>>) offsets(%dma_start3A_176 : memref<128xi32, #tpu.memory_space<vmem>>) semaphore(%run_scoped3A_173 : memref<!tpu.dma_semaphore, #tpu.memory_space<semaphore_mem>>) {add = true}
        %dma_wait3A_180 = arith.constant 0 : i32
        %dma_wait3A_181 = tpu.memref_slice %arg7[%add3A_172, %dma_wait3A_180] : memref<40x128xi32, #tpu.memory_space<vmem>> -> memref<1x128xi32, #tpu.memory_space<vmem>>
        %dma_wait3A_182 = tpu.memref_squeeze %dma_wait3A_181 : memref<1x128xi32, #tpu.memory_space<vmem>> -> memref<128xi32, #tpu.memory_space<vmem>>
        %dma_wait3A_183 = arith.constant 0 : i32
        %dma_wait3A_184 = arith.constant 0 : i32
        %dma_wait3A_185 = tpu.memref_slice %arg10[%dma_wait3A_183, %dma_wait3A_184] : memref<10240x128xf32, #tpu.memory_space<vmem_shared>> -> memref<10240x128xf32, #tpu.memory_space<vmem_shared>>
        tpu.wait_indirect_dma semaphore(%run_scoped3A_173 : memref<!tpu.dma_semaphore, #tpu.memory_space<semaphore_mem>>) src(%arg9 : memref<128x128xf32, #tpu.memory_space<vmem>>) dst(%dma_wait3A_185 : memref<10240x128xf32, #tpu.memory_space<vmem_shared>>)
        tpu.yield
      }) : () -> ()
    }
    %scan3A_128 = arith.constant 20 : i32
    %run_scoped3A = arith.constant 0 : i32
    "tpu.region"() ({
      %run_scoped3A_144 = tpu.sem_alloc : memref<!tpu.dma_semaphore, #tpu.memory_space<semaphore_mem>>
      %dma_start3A_145 = arith.constant 40 : i32
      %dma_start3A_146 = arith.constant 0 : i32
      %dma_start3A_147 = tpu.memref_slice %arg3[%run_scoped3A, %add3A, %dma_start3A_145, %dma_start3A_146] : memref<2x32x80x128xi32, #tpu.memory_space<hbm>> -> memref<1x1x40x128xi32, #tpu.memory_space<hbm>>
      %dma_start3A_148 = tpu.memref_squeeze %dma_start3A_147 : memref<1x1x40x128xi32, #tpu.memory_space<hbm>> -> memref<40x128xi32, #tpu.memory_space<hbm>>
      %dma_start3A_149 = arith.constant 40 : i32
      %dma_start3A_150 = arith.constant 0 : i32
      %dma_start3A_151 = tpu.memref_slice %arg3[%run_scoped3A, %add3A, %dma_start3A_149, %dma_start3A_150] : memref<2x32x80x128xi32, #tpu.memory_space<hbm>> -> memref<1x1x40x128xi32, #tpu.memory_space<hbm>>
      %dma_start3A_152 = tpu.memref_squeeze %dma_start3A_151 : memref<1x1x40x128xi32, #tpu.memory_space<hbm>> -> memref<40x128xi32, #tpu.memory_space<hbm>>
      tpu.enqueue_dma source(%dma_start3A_152 : memref<40x128xi32, #tpu.memory_space<hbm>>) target(%arg6 : memref<40x128xi32, #tpu.memory_space<vmem>>) target_semaphore(%run_scoped3A_144 : memref<!tpu.dma_semaphore, #tpu.memory_space<semaphore_mem>>)
      %dma_wait3A_153 = arith.constant 40 : i32
      %dma_wait3A_154 = arith.constant 0 : i32
      %dma_wait3A_155 = tpu.memref_slice %arg3[%run_scoped3A, %add3A, %dma_wait3A_153, %dma_wait3A_154] : memref<2x32x80x128xi32, #tpu.memory_space<hbm>> -> memref<1x1x40x128xi32, #tpu.memory_space<hbm>>
      %dma_wait3A_156 = tpu.memref_squeeze %dma_wait3A_155 : memref<1x1x40x128xi32, #tpu.memory_space<hbm>> -> memref<40x128xi32, #tpu.memory_space<hbm>>
      %dma_wait3A_157 = arith.constant 40 : i32
      %dma_wait3A_158 = arith.constant 0 : i32
      %dma_wait3A_159 = tpu.memref_slice %arg3[%run_scoped3A, %add3A, %dma_wait3A_157, %dma_wait3A_158] : memref<2x32x80x128xi32, #tpu.memory_space<hbm>> -> memref<1x1x40x128xi32, #tpu.memory_space<hbm>>
      %dma_wait3A_160 = tpu.memref_squeeze %dma_wait3A_159 : memref<1x1x40x128xi32, #tpu.memory_space<hbm>> -> memref<40x128xi32, #tpu.memory_space<hbm>>
      tpu.wait_dma2 semaphore(%run_scoped3A_144 : memref<!tpu.dma_semaphore, #tpu.memory_space<semaphore_mem>>) src(%dma_wait3A_160 : memref<40x128xi32, #tpu.memory_space<hbm>>) dst(%arg6 : memref<40x128xi32, #tpu.memory_space<vmem>>)
      tpu.yield
    }) : () -> ()
    %run_scoped3A_129 = arith.constant 1 : i32
    "tpu.region"() ({
      %run_scoped3A_144 = tpu.sem_alloc : memref<!tpu.dma_semaphore, #tpu.memory_space<semaphore_mem>>
      %dma_start3A_145 = arith.constant 40 : i32
      %dma_start3A_146 = arith.constant 0 : i32
      %dma_start3A_147 = tpu.memref_slice %arg3[%run_scoped3A_129, %add3A, %dma_start3A_145, %dma_start3A_146] : memref<2x32x80x128xi32, #tpu.memory_space<hbm>> -> memref<1x1x40x128xi32, #tpu.memory_space<hbm>>
      %dma_start3A_148 = tpu.memref_squeeze %dma_start3A_147 : memref<1x1x40x128xi32, #tpu.memory_space<hbm>> -> memref<40x128xi32, #tpu.memory_space<hbm>>
      %dma_start3A_149 = arith.constant 40 : i32
      %dma_start3A_150 = arith.constant 0 : i32
      %dma_start3A_151 = tpu.memref_slice %arg3[%run_scoped3A_129, %add3A, %dma_start3A_149, %dma_start3A_150] : memref<2x32x80x128xi32, #tpu.memory_space<hbm>> -> memref<1x1x40x128xi32, #tpu.memory_space<hbm>>
      %dma_start3A_152 = tpu.memref_squeeze %dma_start3A_151 : memref<1x1x40x128xi32, #tpu.memory_space<hbm>> -> memref<40x128xi32, #tpu.memory_space<hbm>>
      tpu.enqueue_dma source(%dma_start3A_152 : memref<40x128xi32, #tpu.memory_space<hbm>>) target(%arg7 : memref<40x128xi32, #tpu.memory_space<vmem>>) target_semaphore(%run_scoped3A_144 : memref<!tpu.dma_semaphore, #tpu.memory_space<semaphore_mem>>)
      %dma_wait3A_153 = arith.constant 40 : i32
      %dma_wait3A_154 = arith.constant 0 : i32
      %dma_wait3A_155 = tpu.memref_slice %arg3[%run_scoped3A_129, %add3A, %dma_wait3A_153, %dma_wait3A_154] : memref<2x32x80x128xi32, #tpu.memory_space<hbm>> -> memref<1x1x40x128xi32, #tpu.memory_space<hbm>>
      %dma_wait3A_156 = tpu.memref_squeeze %dma_wait3A_155 : memref<1x1x40x128xi32, #tpu.memory_space<hbm>> -> memref<40x128xi32, #tpu.memory_space<hbm>>
      %dma_wait3A_157 = arith.constant 40 : i32
      %dma_wait3A_158 = arith.constant 0 : i32
      %dma_wait3A_159 = tpu.memref_slice %arg3[%run_scoped3A_129, %add3A, %dma_wait3A_157, %dma_wait3A_158] : memref<2x32x80x128xi32, #tpu.memory_space<hbm>> -> memref<1x1x40x128xi32, #tpu.memory_space<hbm>>
      %dma_wait3A_160 = tpu.memref_squeeze %dma_wait3A_159 : memref<1x1x40x128xi32, #tpu.memory_space<hbm>> -> memref<40x128xi32, #tpu.memory_space<hbm>>
      tpu.wait_dma2 semaphore(%run_scoped3A_144 : memref<!tpu.dma_semaphore, #tpu.memory_space<semaphore_mem>>) src(%dma_wait3A_160 : memref<40x128xi32, #tpu.memory_space<hbm>>) dst(%arg7 : memref<40x128xi32, #tpu.memory_space<vmem>>)
      tpu.yield
    }) : () -> ()
    %dma_start3A_130 = arith.constant 0 : i32
    %dma_start3A_131 = arith.constant 0 : i32
    %dma_start3A_132 = tpu.memref_slice %arg6[%dma_start3A_130, %dma_start3A_131] : memref<40x128xi32, #tpu.memory_space<vmem>> -> memref<1x128xi32, #tpu.memory_space<vmem>>
    %dma_start3A_133 = tpu.memref_squeeze %dma_start3A_132 : memref<1x128xi32, #tpu.memory_space<vmem>> -> memref<128xi32, #tpu.memory_space<vmem>>
    %dma_start3A_134 = arith.constant 0 : i32
    %dma_start3A_135 = arith.constant 0 : i32
    %dma_start3A_136 = tpu.memref_slice %arg2[%dma_start3A_134, %dma_start3A_135] : memref<10000x128xf32, #tpu.memory_space<hbm>> -> memref<10000x128xf32, #tpu.memory_space<hbm>>
    tpu.enqueue_indirect_dma source(%dma_start3A_136 : memref<10000x128xf32, #tpu.memory_space<hbm>>) target(%arg8 : memref<128x128xf32, #tpu.memory_space<vmem>>) offsets(%dma_start3A_133 : memref<128xi32, #tpu.memory_space<vmem>>) semaphore(%arg11 : memref<!tpu.dma_semaphore, #tpu.memory_space<semaphore_mem>>)
    %scan3A_137 = arith.constant 0 : i32
    %scan3A_138 = arith.constant 0 : i32
    %scan3A_139 = arith.constant 20 : i32
    %scan3A_140 = arith.addi %scan3A_138, %scan3A_139 : i32
    %scan3A_141 = arith.constant 1 : i32
    scf.for %scan3A_144 = %scan3A_138 to %scan3A_140 step %scan3A_141  : i32 {
      %mul3A_145 = arith.constant 2 : i32
      %mul3A_146 = arith.muli %mul3A_145, %scan3A_144 : i32
      %add3A_147 = arith.constant 1 : i32
      %add3A_148 = arith.addi %mul3A_146, %add3A_147 : i32
      %dma_start3A_149 = arith.constant 0 : i32
      %dma_start3A_150 = tpu.memref_slice %arg6[%add3A_148, %dma_start3A_149] : memref<40x128xi32, #tpu.memory_space<vmem>> -> memref<1x128xi32, #tpu.memory_space<vmem>>
      %dma_start3A_151 = tpu.memref_squeeze %dma_start3A_150 : memref<1x128xi32, #tpu.memory_space<vmem>> -> memref<128xi32, #tpu.memory_space<vmem>>
      %dma_start3A_152 = arith.constant 0 : i32
      %dma_start3A_153 = arith.constant 0 : i32
      %dma_start3A_154 = tpu.memref_slice %arg2[%dma_start3A_152, %dma_start3A_153] : memref<10000x128xf32, #tpu.memory_space<hbm>> -> memref<10000x128xf32, #tpu.memory_space<hbm>>
      tpu.enqueue_indirect_dma source(%dma_start3A_154 : memref<10000x128xf32, #tpu.memory_space<hbm>>) target(%arg9 : memref<128x128xf32, #tpu.memory_space<vmem>>) offsets(%dma_start3A_151 : memref<128xi32, #tpu.memory_space<vmem>>) semaphore(%arg12 : memref<!tpu.dma_semaphore, #tpu.memory_space<semaphore_mem>>)
      %dma_wait3A_155 = arith.constant 0 : i32
      %dma_wait3A_156 = tpu.memref_slice %arg6[%mul3A_146, %dma_wait3A_155] : memref<40x128xi32, #tpu.memory_space<vmem>> -> memref<1x128xi32, #tpu.memory_space<vmem>>
      %dma_wait3A_157 = tpu.memref_squeeze %dma_wait3A_156 : memref<1x128xi32, #tpu.memory_space<vmem>> -> memref<128xi32, #tpu.memory_space<vmem>>
      %dma_wait3A_158 = arith.constant 0 : i32
      %dma_wait3A_159 = arith.constant 0 : i32
      %dma_wait3A_160 = tpu.memref_slice %arg2[%dma_wait3A_158, %dma_wait3A_159] : memref<10000x128xf32, #tpu.memory_space<hbm>> -> memref<10000x128xf32, #tpu.memory_space<hbm>>
      tpu.wait_indirect_dma semaphore(%arg11 : memref<!tpu.dma_semaphore, #tpu.memory_space<semaphore_mem>>) src(%dma_wait3A_160 : memref<10000x128xf32, #tpu.memory_space<hbm>>) dst(%arg8 : memref<128x128xf32, #tpu.memory_space<vmem>>)
      "tpu.region"() ({
        %run_scoped3A_173 = tpu.sem_alloc : memref<!tpu.dma_semaphore, #tpu.memory_space<semaphore_mem>>
        %dma_start3A_174 = arith.constant 0 : i32
        %dma_start3A_175 = tpu.memref_slice %arg7[%mul3A_146, %dma_start3A_174] : memref<40x128xi32, #tpu.memory_space<vmem>> -> memref<1x128xi32, #tpu.memory_space<vmem>>
        %dma_start3A_176 = tpu.memref_squeeze %dma_start3A_175 : memref<1x128xi32, #tpu.memory_space<vmem>> -> memref<128xi32, #tpu.memory_space<vmem>>
        %dma_start3A_177 = arith.constant 0 : i32
        %dma_start3A_178 = arith.constant 0 : i32
        %dma_start3A_179 = tpu.memref_slice %arg10[%dma_start3A_177, %dma_start3A_178] : memref<10240x128xf32, #tpu.memory_space<vmem_shared>> -> memref<10240x128xf32, #tpu.memory_space<vmem_shared>>
        tpu.enqueue_indirect_dma source(%arg8 : memref<128x128xf32, #tpu.memory_space<vmem>>) target(%dma_start3A_179 : memref<10240x128xf32, #tpu.memory_space<vmem_shared>>) offsets(%dma_start3A_176 : memref<128xi32, #tpu.memory_space<vmem>>) semaphore(%run_scoped3A_173 : memref<!tpu.dma_semaphore, #tpu.memory_space<semaphore_mem>>) {add = true}
        %dma_wait3A_180 = arith.constant 0 : i32
        %dma_wait3A_181 = tpu.memref_slice %arg7[%mul3A_146, %dma_wait3A_180] : memref<40x128xi32, #tpu.memory_space<vmem>> -> memref<1x128xi32, #tpu.memory_space<vmem>>
        %dma_wait3A_182 = tpu.memref_squeeze %dma_wait3A_181 : memref<1x128xi32, #tpu.memory_space<vmem>> -> memref<128xi32, #tpu.memory_space<vmem>>
        %dma_wait3A_183 = arith.constant 0 : i32
        %dma_wait3A_184 = arith.constant 0 : i32
        %dma_wait3A_185 = tpu.memref_slice %arg10[%dma_wait3A_183, %dma_wait3A_184] : memref<10240x128xf32, #tpu.memory_space<vmem_shared>> -> memref<10240x128xf32, #tpu.memory_space<vmem_shared>>
        tpu.wait_indirect_dma semaphore(%run_scoped3A_173 : memref<!tpu.dma_semaphore, #tpu.memory_space<semaphore_mem>>) src(%arg8 : memref<128x128xf32, #tpu.memory_space<vmem>>) dst(%dma_wait3A_185 : memref<10240x128xf32, #tpu.memory_space<vmem_shared>>)
        tpu.yield
      }) : () -> ()
      %lt3A = arith.constant 19 : i32
      %lt3A_161 = arith.cmpi slt, %scan3A_144, %lt3A : i32
      %convert_element_type3A = arith.extui %lt3A_161 : i1 to i32
      %cond3A = arith.constant 0 : i32
      %cond3A_162 = arith.cmpi ne, %convert_element_type3A, %cond3A : i32
      scf.if %cond3A_162 {
        %add3A_173 = arith.constant 2 : i32
        %add3A_174 = arith.addi %mul3A_146, %add3A_173 : i32
        %dma_start3A_175 = arith.constant 0 : i32
        %dma_start3A_176 = tpu.memref_slice %arg6[%add3A_174, %dma_start3A_175] : memref<40x128xi32, #tpu.memory_space<vmem>> -> memref<1x128xi32, #tpu.memory_space<vmem>>
        %dma_start3A_177 = tpu.memref_squeeze %dma_start3A_176 : memref<1x128xi32, #tpu.memory_space<vmem>> -> memref<128xi32, #tpu.memory_space<vmem>>
        %dma_start3A_178 = arith.constant 0 : i32
        %dma_start3A_179 = arith.constant 0 : i32
        %dma_start3A_180 = tpu.memref_slice %arg2[%dma_start3A_178, %dma_start3A_179] : memref<10000x128xf32, #tpu.memory_space<hbm>> -> memref<10000x128xf32, #tpu.memory_space<hbm>>
        tpu.enqueue_indirect_dma source(%dma_start3A_180 : memref<10000x128xf32, #tpu.memory_space<hbm>>) target(%arg8 : memref<128x128xf32, #tpu.memory_space<vmem>>) offsets(%dma_start3A_177 : memref<128xi32, #tpu.memory_space<vmem>>) semaphore(%arg11 : memref<!tpu.dma_semaphore, #tpu.memory_space<semaphore_mem>>)
      } else {
      }
      %add3A_163 = arith.constant 1 : i32
      %add3A_164 = arith.addi %mul3A_146, %add3A_163 : i32
      %dma_wait3A_165 = arith.constant 0 : i32
      %dma_wait3A_166 = tpu.memref_slice %arg6[%add3A_164, %dma_wait3A_165] : memref<40x128xi32, #tpu.memory_space<vmem>> -> memref<1x128xi32, #tpu.memory_space<vmem>>
      %dma_wait3A_167 = tpu.memref_squeeze %dma_wait3A_166 : memref<1x128xi32, #tpu.memory_space<vmem>> -> memref<128xi32, #tpu.memory_space<vmem>>
      %dma_wait3A_168 = arith.constant 0 : i32
      %dma_wait3A_169 = arith.constant 0 : i32
      %dma_wait3A_170 = tpu.memref_slice %arg2[%dma_wait3A_168, %dma_wait3A_169] : memref<10000x128xf32, #tpu.memory_space<hbm>> -> memref<10000x128xf32, #tpu.memory_space<hbm>>
      tpu.wait_indirect_dma semaphore(%arg12 : memref<!tpu.dma_semaphore, #tpu.memory_space<semaphore_mem>>) src(%dma_wait3A_170 : memref<10000x128xf32, #tpu.memory_space<hbm>>) dst(%arg9 : memref<128x128xf32, #tpu.memory_space<vmem>>)
      %add3A_171 = arith.constant 1 : i32
      %add3A_172 = arith.addi %mul3A_146, %add3A_171 : i32
      "tpu.region"() ({
        %run_scoped3A_173 = tpu.sem_alloc : memref<!tpu.dma_semaphore, #tpu.memory_space<semaphore_mem>>
        %dma_start3A_174 = arith.constant 0 : i32
        %dma_start3A_175 = tpu.memref_slice %arg7[%add3A_172, %dma_start3A_174] : memref<40x128xi32, #tpu.memory_space<vmem>> -> memref<1x128xi32, #tpu.memory_space<vmem>>
        %dma_start3A_176 = tpu.memref_squeeze %dma_start3A_175 : memref<1x128xi32, #tpu.memory_space<vmem>> -> memref<128xi32, #tpu.memory_space<vmem>>
        %dma_start3A_177 = arith.constant 0 : i32
        %dma_start3A_178 = arith.constant 0 : i32
        %dma_start3A_179 = tpu.memref_slice %arg10[%dma_start3A_177, %dma_start3A_178] : memref<10240x128xf32, #tpu.memory_space<vmem_shared>> -> memref<10240x128xf32, #tpu.memory_space<vmem_shared>>
        tpu.enqueue_indirect_dma source(%arg9 : memref<128x128xf32, #tpu.memory_space<vmem>>) target(%dma_start3A_179 : memref<10240x128xf32, #tpu.memory_space<vmem_shared>>) offsets(%dma_start3A_176 : memref<128xi32, #tpu.memory_space<vmem>>) semaphore(%run_scoped3A_173 : memref<!tpu.dma_semaphore, #tpu.memory_space<semaphore_mem>>) {add = true}
        %dma_wait3A_180 = arith.constant 0 : i32
        %dma_wait3A_181 = tpu.memref_slice %arg7[%add3A_172, %dma_wait3A_180] : memref<40x128xi32, #tpu.memory_space<vmem>> -> memref<1x128xi32, #tpu.memory_space<vmem>>
        %dma_wait3A_182 = tpu.memref_squeeze %dma_wait3A_181 : memref<1x128xi32, #tpu.memory_space<vmem>> -> memref<128xi32, #tpu.memory_space<vmem>>
        %dma_wait3A_183 = arith.constant 0 : i32
        %dma_wait3A_184 = arith.constant 0 : i32
        %dma_wait3A_185 = tpu.memref_slice %arg10[%dma_wait3A_183, %dma_wait3A_184] : memref<10240x128xf32, #tpu.memory_space<vmem_shared>> -> memref<10240x128xf32, #tpu.memory_space<vmem_shared>>
        tpu.wait_indirect_dma semaphore(%run_scoped3A_173 : memref<!tpu.dma_semaphore, #tpu.memory_space<semaphore_mem>>) src(%arg9 : memref<128x128xf32, #tpu.memory_space<vmem>>) dst(%dma_wait3A_185 : memref<10240x128xf32, #tpu.memory_space<vmem_shared>>)
        tpu.yield
      }) : () -> ()
    }
    %scan3A_142 = arith.constant 20 : i32
    %barrier3A_143 = arith.constant 0 : index
    tpu.barrier barrier_id(%barrier3A_143)
    "tpu.region"() ({
      %run_scoped3A_144 = tpu.sem_alloc : memref<!tpu.dma_semaphore, #tpu.memory_space<semaphore_mem>>
      %dma_start3A_145 = arith.constant 0 : i32
      %dma_start3A_146 = tpu.memref_slice %arg5[%arg0, %mul3A_2, %dma_start3A_145] : memref<2x10240x128xf32, #tpu.memory_space<hbm>> -> memref<1x640x128xf32, #tpu.memory_space<hbm>>
      %dma_start3A_147 = tpu.memref_squeeze %dma_start3A_146 : memref<1x640x128xf32, #tpu.memory_space<hbm>> -> memref<640x128xf32, #tpu.memory_space<hbm>>
      %dma_start3A_148 = arith.constant 0 : i32
      %dma_start3A_149 = tpu.memref_slice %arg10[%mul3A_2, %dma_start3A_148] : memref<10240x128xf32, #tpu.memory_space<vmem_shared>> -> memref<640x128xf32, #tpu.memory_space<vmem_shared>>
      tpu.enqueue_dma source(%dma_start3A_149 : memref<640x128xf32, #tpu.memory_space<vmem_shared>>) target(%dma_start3A_147 : memref<640x128xf32, #tpu.memory_space<hbm>>) target_semaphore(%run_scoped3A_144 : memref<!tpu.dma_semaphore, #tpu.memory_space<semaphore_mem>>)
      %dma_wait3A_150 = arith.constant 0 : i32
      %dma_wait3A_151 = tpu.memref_slice %arg5[%arg0, %mul3A_2, %dma_wait3A_150] : memref<2x10240x128xf32, #tpu.memory_space<hbm>> -> memref<1x640x128xf32, #tpu.memory_space<hbm>>
      %dma_wait3A_152 = tpu.memref_squeeze %dma_wait3A_151 : memref<1x640x128xf32, #tpu.memory_space<hbm>> -> memref<640x128xf32, #tpu.memory_space<hbm>>
      %dma_wait3A_153 = arith.constant 0 : i32
      %dma_wait3A_154 = tpu.memref_slice %arg10[%mul3A_2, %dma_wait3A_153] : memref<10240x128xf32, #tpu.memory_space<vmem_shared>> -> memref<640x128xf32, #tpu.memory_space<vmem_shared>>
      tpu.wait_dma2 semaphore(%run_scoped3A_144 : memref<!tpu.dma_semaphore, #tpu.memory_space<semaphore_mem>>) src(%dma_wait3A_154 : memref<640x128xf32, #tpu.memory_space<vmem_shared>>) dst(%dma_wait3A_152 : memref<640x128xf32, #tpu.memory_space<hbm>>)
      tpu.yield
    }) : () -> ()
    return
  }
}

#map = affine_map<(d0, d1) -> (0, 0)>
#map1 = affine_map<(d0, d1) -> (0, 0, 0, 0)>
#map2 = affine_map<(d0, d1) -> (0, 0, 0)>
module attributes {stable_mosaic.version = 14 : i64} {
  func.func @_conv_kernel(%arg0: i32, %arg1: i32, %arg2: memref<10000x128xf32, #tpu.memory_space<hbm>>, %arg3: memref<2x32x80x128xi32, #tpu.memory_space<hbm>>, %arg4: memref<128x128xf32, #tpu.memory_space<hbm>>, %arg5: memref<2x10240x128xf32, #tpu.memory_space<hbm>>, %arg6: memref<40x128xi32, #tpu.memory_space<vmem>>, %arg7: memref<40x128xi32, #tpu.memory_space<vmem>>, %arg8: memref<128x128xf32, #tpu.memory_space<vmem>>, %arg9: memref<128x128xf32, #tpu.memory_space<vmem>>, %arg10: memref<10240x128xf32, #tpu.memory_space<vmem_shared>>, %arg11: memref<!tpu.dma_semaphore, #tpu.memory_space<semaphore_mem>>, %arg12: memref<!tpu.dma_semaphore, #tpu.memory_space<semaphore_mem>>) attributes {dimension_semantics = [#tpu.dimension_semantics<core_parallel>, #tpu.dimension_semantics<subcore_parallel>], iteration_bounds = array<i64: 2, 16>, scalar_prefetch = 0 : i64, scratch_operands = 7 : i64, tpu.core_type = #tpu.core_type<sc_vector_subcore>, window_params = [{transform_indices = #map}, {transform_indices = #map1}, {transform_indices = #map}, {transform_indices = #map2}]} {
    %mul3A = arith.constant 16 : i32
    %mul3A_0 = arith.muli %arg0, %mul3A : i32
    %add3A = arith.addi %mul3A_0, %arg1 : i32
    %mul3A_1 = arith.constant 640 : i32
    %mul3A_2 = arith.muli %arg1, %mul3A_1 : i32
    "tpu.region"() ({
      %run_scoped3A_144 = tpu.sem_alloc : memref<!tpu.dma_semaphore, #tpu.memory_space<semaphore_mem>>
      tpu.enqueue_dma source(%arg4 : memref<128x128xf32, #tpu.memory_space<hbm>>) target(%arg8 : memref<128x128xf32, #tpu.memory_space<vmem>>) target_semaphore(%run_scoped3A_144 : memref<!tpu.dma_semaphore, #tpu.memory_space<semaphore_mem>>)
      tpu.wait_dma2 semaphore(%run_scoped3A_144 : memref<!tpu.dma_semaphore, #tpu.memory_space<semaphore_mem>>) src(%arg4 : memref<128x128xf32, #tpu.memory_space<hbm>>) dst(%arg8 : memref<128x128xf32, #tpu.memory_space<vmem>>)
      tpu.yield
    }) : () -> ()
    %mul3A_3 = arith.constant 640 : i32
    %mul3A_4 = arith.muli %arg1, %mul3A_3 : i32
    %add3A_5 = arith.constant 0 : i32
    %add3A_6 = arith.addi %mul3A_4, %add3A_5 : i32
    %dma_start3A = arith.constant 0 : i32
    %dma_start3A_7 = tpu.memref_slice %arg10[%add3A_6, %dma_start3A] : memref<10240x128xf32, #tpu.memory_space<vmem_shared>> -> memref<128x128xf32, #tpu.memory_space<vmem_shared>>
    %dma_start3A_8 = arith.constant 0 : i32
    %dma_start3A_9 = tpu.memref_slice %arg10[%add3A_6, %dma_start3A_8] : memref<10240x128xf32, #tpu.memory_space<vmem_shared>> -> memref<128x128xf32, #tpu.memory_space<vmem_shared>>
    tpu.enqueue_dma source(%arg8 : memref<128x128xf32, #tpu.memory_space<vmem>>) target(%dma_start3A_9 : memref<128x128xf32, #tpu.memory_space<vmem_shared>>) target_semaphore(%arg11 : memref<!tpu.dma_semaphore, #tpu.memory_space<semaphore_mem>>)
    %mul3A_10 = arith.constant 640 : i32
    %mul3A_11 = arith.muli %arg1, %mul3A_10 : i32
    %add3A_12 = arith.constant 128 : i32
    %add3A_13 = arith.addi %mul3A_11, %add3A_12 : i32
    %dma_start3A_14 = arith.constant 0 : i32
    %dma_start3A_15 = tpu.memref_slice %arg10[%add3A_13, %dma_start3A_14] : memref<10240x128xf32, #tpu.memory_space<vmem_shared>> -> memref<128x128xf32, #tpu.memory_space<vmem_shared>>
    %dma_start3A_16 = arith.constant 0 : i32
    %dma_start3A_17 = tpu.memref_slice %arg10[%add3A_13, %dma_start3A_16] : memref<10240x128xf32, #tpu.memory_space<vmem_shared>> -> memref<128x128xf32, #tpu.memory_space<vmem_shared>>
    tpu.enqueue_dma source(%arg8 : memref<128x128xf32, #tpu.memory_space<vmem>>) target(%dma_start3A_17 : memref<128x128xf32, #tpu.memory_space<vmem_shared>>) target_semaphore(%arg11 : memref<!tpu.dma_semaphore, #tpu.memory_space<semaphore_mem>>)
    %mul3A_18 = arith.constant 640 : i32
    %mul3A_19 = arith.muli %arg1, %mul3A_18 : i32
    %add3A_20 = arith.constant 256 : i32
    %add3A_21 = arith.addi %mul3A_19, %add3A_20 : i32
    %dma_start3A_22 = arith.constant 0 : i32
    %dma_start3A_23 = tpu.memref_slice %arg10[%add3A_21, %dma_start3A_22] : memref<10240x128xf32, #tpu.memory_space<vmem_shared>> -> memref<128x128xf32, #tpu.memory_space<vmem_shared>>
    %dma_start3A_24 = arith.constant 0 : i32
    %dma_start3A_25 = tpu.memref_slice %arg10[%add3A_21, %dma_start3A_24] : memref<10240x128xf32, #tpu.memory_space<vmem_shared>> -> memref<128x128xf32, #tpu.memory_space<vmem_shared>>
    tpu.enqueue_dma source(%arg8 : memref<128x128xf32, #tpu.memory_space<vmem>>) target(%dma_start3A_25 : memref<128x128xf32, #tpu.memory_space<vmem_shared>>) target_semaphore(%arg11 : memref<!tpu.dma_semaphore, #tpu.memory_space<semaphore_mem>>)
    %mul3A_26 = arith.constant 640 : i32
    %mul3A_27 = arith.muli %arg1, %mul3A_26 : i32
    %add3A_28 = arith.constant 384 : i32
    %add3A_29 = arith.addi %mul3A_27, %add3A_28 : i32
    %dma_start3A_30 = arith.constant 0 : i32
    %dma_start3A_31 = tpu.memref_slice %arg10[%add3A_29, %dma_start3A_30] : memref<10240x128xf32, #tpu.memory_space<vmem_shared>> -> memref<128x128xf32, #tpu.memory_space<vmem_shared>>
    %dma_start3A_32 = arith.constant 0 : i32
    %dma_start3A_33 = tpu.memref_slice %arg10[%add3A_29, %dma_start3A_32] : memref<10240x128xf32, #tpu.memory_space<vmem_shared>> -> memref<128x128xf32, #tpu.memory_space<vmem_shared>>
    tpu.enqueue_dma source(%arg8 : memref<128x128xf32, #tpu.memory_space<vmem>>) target(%dma_start3A_33 : memref<128x128xf32, #tpu.memory_space<vmem_shared>>) target_semaphore(%arg11 : memref<!tpu.dma_semaphore, #tpu.memory_space<semaphore_mem>>)
    %mul3A_34 = arith.constant 640 : i32
    %mul3A_35 = arith.muli %arg1, %mul3A_34 : i32
    %add3A_36 = arith.constant 512 : i32
    %add3A_37 = arith.addi %mul3A_35, %add3A_36 : i32
    %dma_start3A_38 = arith.constant 0 : i32
    %dma_start3A_39 = tpu.memref_slice %arg10[%add3A_37, %dma_start3A_38] : memref<10240x128xf32, #tpu.memory_space<vmem_shared>> -> memref<128x128xf32, #tpu.memory_space<vmem_shared>>
    %dma_start3A_40 = arith.constant 0 : i32
    %dma_start3A_41 = tpu.memref_slice %arg10[%add3A_37, %dma_start3A_40] : memref<10240x128xf32, #tpu.memory_space<vmem_shared>> -> memref<128x128xf32, #tpu.memory_space<vmem_shared>>
    tpu.enqueue_dma source(%arg8 : memref<128x128xf32, #tpu.memory_space<vmem>>) target(%dma_start3A_41 : memref<128x128xf32, #tpu.memory_space<vmem_shared>>) target_semaphore(%arg11 : memref<!tpu.dma_semaphore, #tpu.memory_space<semaphore_mem>>)
    %dma_start3A_42 = arith.constant 0 : i32
    %dma_start3A_43 = arith.constant 0 : i32
    %dma_start3A_44 = arith.constant 0 : i32
    %dma_start3A_45 = tpu.memref_slice %arg3[%dma_start3A_42, %add3A, %dma_start3A_43, %dma_start3A_44] : memref<2x32x80x128xi32, #tpu.memory_space<hbm>> -> memref<1x1x40x128xi32, #tpu.memory_space<hbm>>
    %dma_start3A_46 = tpu.memref_squeeze %dma_start3A_45 : memref<1x1x40x128xi32, #tpu.memory_space<hbm>> -> memref<40x128xi32, #tpu.memory_space<hbm>>
    %dma_start3A_47 = arith.constant 0 : i32
    %dma_start3A_48 = arith.constant 0 : i32
    %dma_start3A_49 = tpu.memref_slice %arg3[%dma_start3A_42, %add3A, %dma_start3A_47, %dma_start3A_48] : memref<2x32x80x128xi32, #tpu.memory_space<hbm>> -> memref<1x1x40x128xi32, #tpu.memory_space<hbm>>
    %dma_start3A_50 = tpu.memref_squeeze %dma_start3A_49 : memref<1x1x40x128xi32, #tpu.memory_space<hbm>> -> memref<40x128xi32, #tpu.memory_space<hbm>>
    tpu.enqueue_dma source(%dma_start3A_50 : memref<40x128xi32, #tpu.memory_space<hbm>>) target(%arg6 : memref<40x128xi32, #tpu.memory_space<vmem>>) target_semaphore(%arg12 : memref<!tpu.dma_semaphore, #tpu.memory_space<semaphore_mem>>)
    %dma_start3A_51 = arith.constant 1 : i32
    %dma_start3A_52 = arith.constant 0 : i32
    %dma_start3A_53 = arith.constant 0 : i32
    %dma_start3A_54 = tpu.memref_slice %arg3[%dma_start3A_51, %add3A, %dma_start3A_52, %dma_start3A_53] : memref<2x32x80x128xi32, #tpu.memory_space<hbm>> -> memref<1x1x40x128xi32, #tpu.memory_space<hbm>>
    %dma_start3A_55 = tpu.memref_squeeze %dma_start3A_54 : memref<1x1x40x128xi32, #tpu.memory_space<hbm>> -> memref<40x128xi32, #tpu.memory_space<hbm>>
    %dma_start3A_56 = arith.constant 0 : i32
    %dma_start3A_57 = arith.constant 0 : i32
    %dma_start3A_58 = tpu.memref_slice %arg3[%dma_start3A_51, %add3A, %dma_start3A_56, %dma_start3A_57] : memref<2x32x80x128xi32, #tpu.memory_space<hbm>> -> memref<1x1x40x128xi32, #tpu.memory_space<hbm>>
    %dma_start3A_59 = tpu.memref_squeeze %dma_start3A_58 : memref<1x1x40x128xi32, #tpu.memory_space<hbm>> -> memref<40x128xi32, #tpu.memory_space<hbm>>
    tpu.enqueue_dma source(%dma_start3A_59 : memref<40x128xi32, #tpu.memory_space<hbm>>) target(%arg7 : memref<40x128xi32, #tpu.memory_space<vmem>>) target_semaphore(%arg12 : memref<!tpu.dma_semaphore, #tpu.memory_space<semaphore_mem>>)
    %mul3A_60 = arith.constant 640 : i32
    %mul3A_61 = arith.muli %arg1, %mul3A_60 : i32
    %add3A_62 = arith.constant 0 : i32
    %add3A_63 = arith.addi %mul3A_61, %add3A_62 : i32
    %dma_wait3A = arith.constant 0 : i32
    %dma_wait3A_64 = tpu.memref_slice %arg10[%add3A_63, %dma_wait3A] : memref<10240x128xf32, #tpu.memory_space<vmem_shared>> -> memref<128x128xf32, #tpu.memory_space<vmem_shared>>
    %dma_wait3A_65 = arith.constant 0 : i32
    %dma_wait3A_66 = tpu.memref_slice %arg10[%add3A_63, %dma_wait3A_65] : memref<10240x128xf32, #tpu.memory_space<vmem_shared>> -> memref<128x128xf32, #tpu.memory_space<vmem_shared>>
    tpu.wait_dma2 semaphore(%arg11 : memref<!tpu.dma_semaphore, #tpu.memory_space<semaphore_mem>>) src(%arg8 : memref<128x128xf32, #tpu.memory_space<vmem>>) dst(%dma_wait3A_66 : memref<128x128xf32, #tpu.memory_space<vmem_shared>>)
    %mul3A_67 = arith.constant 640 : i32
    %mul3A_68 = arith.muli %arg1, %mul3A_67 : i32
    %add3A_69 = arith.constant 128 : i32
    %add3A_70 = arith.addi %mul3A_68, %add3A_69 : i32
    %dma_wait3A_71 = arith.constant 0 : i32
    %dma_wait3A_72 = tpu.memref_slice %arg10[%add3A_70, %dma_wait3A_71] : memref<10240x128xf32, #tpu.memory_space<vmem_shared>> -> memref<128x128xf32, #tpu.memory_space<vmem_shared>>
    %dma_wait3A_73 = arith.constant 0 : i32
    %dma_wait3A_74 = tpu.memref_slice %arg10[%add3A_70, %dma_wait3A_73] : memref<10240x128xf32, #tpu.memory_space<vmem_shared>> -> memref<128x128xf32, #tpu.memory_space<vmem_shared>>
    tpu.wait_dma2 semaphore(%arg11 : memref<!tpu.dma_semaphore, #tpu.memory_space<semaphore_mem>>) src(%arg8 : memref<128x128xf32, #tpu.memory_space<vmem>>) dst(%dma_wait3A_74 : memref<128x128xf32, #tpu.memory_space<vmem_shared>>)
    %mul3A_75 = arith.constant 640 : i32
    %mul3A_76 = arith.muli %arg1, %mul3A_75 : i32
    %add3A_77 = arith.constant 256 : i32
    %add3A_78 = arith.addi %mul3A_76, %add3A_77 : i32
    %dma_wait3A_79 = arith.constant 0 : i32
    %dma_wait3A_80 = tpu.memref_slice %arg10[%add3A_78, %dma_wait3A_79] : memref<10240x128xf32, #tpu.memory_space<vmem_shared>> -> memref<128x128xf32, #tpu.memory_space<vmem_shared>>
    %dma_wait3A_81 = arith.constant 0 : i32
    %dma_wait3A_82 = tpu.memref_slice %arg10[%add3A_78, %dma_wait3A_81] : memref<10240x128xf32, #tpu.memory_space<vmem_shared>> -> memref<128x128xf32, #tpu.memory_space<vmem_shared>>
    tpu.wait_dma2 semaphore(%arg11 : memref<!tpu.dma_semaphore, #tpu.memory_space<semaphore_mem>>) src(%arg8 : memref<128x128xf32, #tpu.memory_space<vmem>>) dst(%dma_wait3A_82 : memref<128x128xf32, #tpu.memory_space<vmem_shared>>)
    %mul3A_83 = arith.constant 640 : i32
    %mul3A_84 = arith.muli %arg1, %mul3A_83 : i32
    %add3A_85 = arith.constant 384 : i32
    %add3A_86 = arith.addi %mul3A_84, %add3A_85 : i32
    %dma_wait3A_87 = arith.constant 0 : i32
    %dma_wait3A_88 = tpu.memref_slice %arg10[%add3A_86, %dma_wait3A_87] : memref<10240x128xf32, #tpu.memory_space<vmem_shared>> -> memref<128x128xf32, #tpu.memory_space<vmem_shared>>
    %dma_wait3A_89 = arith.constant 0 : i32
    %dma_wait3A_90 = tpu.memref_slice %arg10[%add3A_86, %dma_wait3A_89] : memref<10240x128xf32, #tpu.memory_space<vmem_shared>> -> memref<128x128xf32, #tpu.memory_space<vmem_shared>>
    tpu.wait_dma2 semaphore(%arg11 : memref<!tpu.dma_semaphore, #tpu.memory_space<semaphore_mem>>) src(%arg8 : memref<128x128xf32, #tpu.memory_space<vmem>>) dst(%dma_wait3A_90 : memref<128x128xf32, #tpu.memory_space<vmem_shared>>)
    %mul3A_91 = arith.constant 640 : i32
    %mul3A_92 = arith.muli %arg1, %mul3A_91 : i32
    %add3A_93 = arith.constant 512 : i32
    %add3A_94 = arith.addi %mul3A_92, %add3A_93 : i32
    %dma_wait3A_95 = arith.constant 0 : i32
    %dma_wait3A_96 = tpu.memref_slice %arg10[%add3A_94, %dma_wait3A_95] : memref<10240x128xf32, #tpu.memory_space<vmem_shared>> -> memref<128x128xf32, #tpu.memory_space<vmem_shared>>
    %dma_wait3A_97 = arith.constant 0 : i32
    %dma_wait3A_98 = tpu.memref_slice %arg10[%add3A_94, %dma_wait3A_97] : memref<10240x128xf32, #tpu.memory_space<vmem_shared>> -> memref<128x128xf32, #tpu.memory_space<vmem_shared>>
    tpu.wait_dma2 semaphore(%arg11 : memref<!tpu.dma_semaphore, #tpu.memory_space<semaphore_mem>>) src(%arg8 : memref<128x128xf32, #tpu.memory_space<vmem>>) dst(%dma_wait3A_98 : memref<128x128xf32, #tpu.memory_space<vmem_shared>>)
    %dma_wait3A_99 = arith.constant 0 : i32
    %dma_wait3A_100 = arith.constant 0 : i32
    %dma_wait3A_101 = arith.constant 0 : i32
    %dma_wait3A_102 = tpu.memref_slice %arg3[%dma_wait3A_99, %add3A, %dma_wait3A_100, %dma_wait3A_101] : memref<2x32x80x128xi32, #tpu.memory_space<hbm>> -> memref<1x1x40x128xi32, #tpu.memory_space<hbm>>
    %dma_wait3A_103 = tpu.memref_squeeze %dma_wait3A_102 : memref<1x1x40x128xi32, #tpu.memory_space<hbm>> -> memref<40x128xi32, #tpu.memory_space<hbm>>
    %dma_wait3A_104 = arith.constant 0 : i32
    %dma_wait3A_105 = arith.constant 0 : i32
    %dma_wait3A_106 = tpu.memref_slice %arg3[%dma_wait3A_99, %add3A, %dma_wait3A_104, %dma_wait3A_105] : memref<2x32x80x128xi32, #tpu.memory_space<hbm>> -> memref<1x1x40x128xi32, #tpu.memory_space<hbm>>
    %dma_wait3A_107 = tpu.memref_squeeze %dma_wait3A_106 : memref<1x1x40x128xi32, #tpu.memory_space<hbm>> -> memref<40x128xi32, #tpu.memory_space<hbm>>
    tpu.wait_dma2 semaphore(%arg12 : memref<!tpu.dma_semaphore, #tpu.memory_space<semaphore_mem>>) src(%dma_wait3A_107 : memref<40x128xi32, #tpu.memory_space<hbm>>) dst(%arg6 : memref<40x128xi32, #tpu.memory_space<vmem>>)
    %dma_wait3A_108 = arith.constant 1 : i32
    %dma_wait3A_109 = arith.constant 0 : i32
    %dma_wait3A_110 = arith.constant 0 : i32
    %dma_wait3A_111 = tpu.memref_slice %arg3[%dma_wait3A_108, %add3A, %dma_wait3A_109, %dma_wait3A_110] : memref<2x32x80x128xi32, #tpu.memory_space<hbm>> -> memref<1x1x40x128xi32, #tpu.memory_space<hbm>>
    %dma_wait3A_112 = tpu.memref_squeeze %dma_wait3A_111 : memref<1x1x40x128xi32, #tpu.memory_space<hbm>> -> memref<40x128xi32, #tpu.memory_space<hbm>>
    %dma_wait3A_113 = arith.constant 0 : i32
    %dma_wait3A_114 = arith.constant 0 : i32
    %dma_wait3A_115 = tpu.memref_slice %arg3[%dma_wait3A_108, %add3A, %dma_wait3A_113, %dma_wait3A_114] : memref<2x32x80x128xi32, #tpu.memory_space<hbm>> -> memref<1x1x40x128xi32, #tpu.memory_space<hbm>>
    %dma_wait3A_116 = tpu.memref_squeeze %dma_wait3A_115 : memref<1x1x40x128xi32, #tpu.memory_space<hbm>> -> memref<40x128xi32, #tpu.memory_space<hbm>>
    tpu.wait_dma2 semaphore(%arg12 : memref<!tpu.dma_semaphore, #tpu.memory_space<semaphore_mem>>) src(%dma_wait3A_116 : memref<40x128xi32, #tpu.memory_space<hbm>>) dst(%arg7 : memref<40x128xi32, #tpu.memory_space<vmem>>)
    %barrier3A = arith.constant 0 : index
    tpu.barrier barrier_id(%barrier3A)
    %dma_start3A_117 = arith.constant 0 : i32
    %dma_start3A_118 = arith.constant 0 : i32
    %dma_start3A_119 = tpu.memref_slice %arg6[%dma_start3A_117, %dma_start3A_118] : memref<40x128xi32, #tpu.memory_space<vmem>> -> memref<1x128xi32, #tpu.memory_space<vmem>>
    %dma_start3A_120 = tpu.memref_squeeze %dma_start3A_119 : memref<1x128xi32, #tpu.memory_space<vmem>> -> memref<128xi32, #tpu.memory_space<vmem>>
    %dma_start3A_121 = arith.constant 0 : i32
    %dma_start3A_122 = arith.constant 0 : i32
    %dma_start3A_123 = tpu.memref_slice %arg2[%dma_start3A_121, %dma_start3A_122] : memref<10000x128xf32, #tpu.memory_space<hbm>> -> memref<10000x128xf32, #tpu.memory_space<hbm>>
    tpu.enqueue_indirect_dma source(%dma_start3A_123 : memref<10000x128xf32, #tpu.memory_space<hbm>>) target(%arg8 : memref<128x128xf32, #tpu.memory_space<vmem>>) offsets(%dma_start3A_120 : memref<128xi32, #tpu.memory_space<vmem>>) semaphore(%arg11 : memref<!tpu.dma_semaphore, #tpu.memory_space<semaphore_mem>>)
    %scan3A = arith.constant 0 : i32
    %scan3A_124 = arith.constant 0 : i32
    %scan3A_125 = arith.constant 20 : i32
    %scan3A_126 = arith.addi %scan3A_124, %scan3A_125 : i32
    %scan3A_127 = arith.constant 1 : i32
    scf.for %scan3A_144 = %scan3A_124 to %scan3A_126 step %scan3A_127  : i32 {
      %mul3A_145 = arith.constant 2 : i32
      %mul3A_146 = arith.muli %mul3A_145, %scan3A_144 : i32
      %add3A_147 = arith.constant 1 : i32
      %add3A_148 = arith.addi %mul3A_146, %add3A_147 : i32
      %dma_start3A_149 = arith.constant 0 : i32
      %dma_start3A_150 = tpu.memref_slice %arg6[%add3A_148, %dma_start3A_149] : memref<40x128xi32, #tpu.memory_space<vmem>> -> memref<1x128xi32, #tpu.memory_space<vmem>>
      %dma_start3A_151 = tpu.memref_squeeze %dma_start3A_150 : memref<1x128xi32, #tpu.memory_space<vmem>> -> memref<128xi32, #tpu.memory_space<vmem>>
      %dma_start3A_152 = arith.constant 0 : i32
      %dma_start3A_153 = arith.constant 0 : i32
      %dma_start3A_154 = tpu.memref_slice %arg2[%dma_start3A_152, %dma_start3A_153] : memref<10000x128xf32, #tpu.memory_space<hbm>> -> memref<10000x128xf32, #tpu.memory_space<hbm>>
      tpu.enqueue_indirect_dma source(%dma_start3A_154 : memref<10000x128xf32, #tpu.memory_space<hbm>>) target(%arg9 : memref<128x128xf32, #tpu.memory_space<vmem>>) offsets(%dma_start3A_151 : memref<128xi32, #tpu.memory_space<vmem>>) semaphore(%arg12 : memref<!tpu.dma_semaphore, #tpu.memory_space<semaphore_mem>>)
      %dma_wait3A_155 = arith.constant 0 : i32
      %dma_wait3A_156 = tpu.memref_slice %arg6[%mul3A_146, %dma_wait3A_155] : memref<40x128xi32, #tpu.memory_space<vmem>> -> memref<1x128xi32, #tpu.memory_space<vmem>>
      %dma_wait3A_157 = tpu.memref_squeeze %dma_wait3A_156 : memref<1x128xi32, #tpu.memory_space<vmem>> -> memref<128xi32, #tpu.memory_space<vmem>>
      %dma_wait3A_158 = arith.constant 0 : i32
      %dma_wait3A_159 = arith.constant 0 : i32
      %dma_wait3A_160 = tpu.memref_slice %arg2[%dma_wait3A_158, %dma_wait3A_159] : memref<10000x128xf32, #tpu.memory_space<hbm>> -> memref<10000x128xf32, #tpu.memory_space<hbm>>
      tpu.wait_indirect_dma semaphore(%arg11 : memref<!tpu.dma_semaphore, #tpu.memory_space<semaphore_mem>>) src(%dma_wait3A_160 : memref<10000x128xf32, #tpu.memory_space<hbm>>) dst(%arg8 : memref<128x128xf32, #tpu.memory_space<vmem>>)
      "tpu.region"() ({
        %run_scoped3A_173 = tpu.sem_alloc : memref<!tpu.dma_semaphore, #tpu.memory_space<semaphore_mem>>
        %dma_start3A_174 = arith.constant 0 : i32
        %dma_start3A_175 = tpu.memref_slice %arg7[%mul3A_146, %dma_start3A_174] : memref<40x128xi32, #tpu.memory_space<vmem>> -> memref<1x128xi32, #tpu.memory_space<vmem>>
        %dma_start3A_176 = tpu.memref_squeeze %dma_start3A_175 : memref<1x128xi32, #tpu.memory_space<vmem>> -> memref<128xi32, #tpu.memory_space<vmem>>
        %dma_start3A_177 = arith.constant 0 : i32
        %dma_start3A_178 = arith.constant 0 : i32
        %dma_start3A_179 = tpu.memref_slice %arg10[%dma_start3A_177, %dma_start3A_178] : memref<10240x128xf32, #tpu.memory_space<vmem_shared>> -> memref<10240x128xf32, #tpu.memory_space<vmem_shared>>
        tpu.enqueue_indirect_dma source(%arg8 : memref<128x128xf32, #tpu.memory_space<vmem>>) target(%dma_start3A_179 : memref<10240x128xf32, #tpu.memory_space<vmem_shared>>) offsets(%dma_start3A_176 : memref<128xi32, #tpu.memory_space<vmem>>) semaphore(%run_scoped3A_173 : memref<!tpu.dma_semaphore, #tpu.memory_space<semaphore_mem>>) {add = true}
        %dma_wait3A_180 = arith.constant 0 : i32
        %dma_wait3A_181 = tpu.memref_slice %arg7[%mul3A_146, %dma_wait3A_180] : memref<40x128xi32, #tpu.memory_space<vmem>> -> memref<1x128xi32, #tpu.memory_space<vmem>>
        %dma_wait3A_182 = tpu.memref_squeeze %dma_wait3A_181 : memref<1x128xi32, #tpu.memory_space<vmem>> -> memref<128xi32, #tpu.memory_space<vmem>>
        %dma_wait3A_183 = arith.constant 0 : i32
        %dma_wait3A_184 = arith.constant 0 : i32
        %dma_wait3A_185 = tpu.memref_slice %arg10[%dma_wait3A_183, %dma_wait3A_184] : memref<10240x128xf32, #tpu.memory_space<vmem_shared>> -> memref<10240x128xf32, #tpu.memory_space<vmem_shared>>
        tpu.wait_indirect_dma semaphore(%run_scoped3A_173 : memref<!tpu.dma_semaphore, #tpu.memory_space<semaphore_mem>>) src(%arg8 : memref<128x128xf32, #tpu.memory_space<vmem>>) dst(%dma_wait3A_185 : memref<10240x128xf32, #tpu.memory_space<vmem_shared>>)
        tpu.yield
      }) : () -> ()
      %lt3A = arith.constant 19 : i32
      %lt3A_161 = arith.cmpi slt, %scan3A_144, %lt3A : i32
      %convert_element_type3A = arith.extui %lt3A_161 : i1 to i32
      %cond3A = arith.constant 0 : i32
      %cond3A_162 = arith.cmpi ne, %convert_element_type3A, %cond3A : i32
      scf.if %cond3A_162 {
        %add3A_173 = arith.constant 2 : i32
        %add3A_174 = arith.addi %mul3A_146, %add3A_173 : i32
        %dma_start3A_175 = arith.constant 0 : i32
        %dma_start3A_176 = tpu.memref_slice %arg6[%add3A_174, %dma_start3A_175] : memref<40x128xi32, #tpu.memory_space<vmem>> -> memref<1x128xi32, #tpu.memory_space<vmem>>
        %dma_start3A_177 = tpu.memref_squeeze %dma_start3A_176 : memref<1x128xi32, #tpu.memory_space<vmem>> -> memref<128xi32, #tpu.memory_space<vmem>>
        %dma_start3A_178 = arith.constant 0 : i32
        %dma_start3A_179 = arith.constant 0 : i32
        %dma_start3A_180 = tpu.memref_slice %arg2[%dma_start3A_178, %dma_start3A_179] : memref<10000x128xf32, #tpu.memory_space<hbm>> -> memref<10000x128xf32, #tpu.memory_space<hbm>>
        tpu.enqueue_indirect_dma source(%dma_start3A_180 : memref<10000x128xf32, #tpu.memory_space<hbm>>) target(%arg8 : memref<128x128xf32, #tpu.memory_space<vmem>>) offsets(%dma_start3A_177 : memref<128xi32, #tpu.memory_space<vmem>>) semaphore(%arg11 : memref<!tpu.dma_semaphore, #tpu.memory_space<semaphore_mem>>)
      } else {
      }
      %add3A_163 = arith.constant 1 : i32
      %add3A_164 = arith.addi %mul3A_146, %add3A_163 : i32
      %dma_wait3A_165 = arith.constant 0 : i32
      %dma_wait3A_166 = tpu.memref_slice %arg6[%add3A_164, %dma_wait3A_165] : memref<40x128xi32, #tpu.memory_space<vmem>> -> memref<1x128xi32, #tpu.memory_space<vmem>>
      %dma_wait3A_167 = tpu.memref_squeeze %dma_wait3A_166 : memref<1x128xi32, #tpu.memory_space<vmem>> -> memref<128xi32, #tpu.memory_space<vmem>>
      %dma_wait3A_168 = arith.constant 0 : i32
      %dma_wait3A_169 = arith.constant 0 : i32
      %dma_wait3A_170 = tpu.memref_slice %arg2[%dma_wait3A_168, %dma_wait3A_169] : memref<10000x128xf32, #tpu.memory_space<hbm>> -> memref<10000x128xf32, #tpu.memory_space<hbm>>
      tpu.wait_indirect_dma semaphore(%arg12 : memref<!tpu.dma_semaphore, #tpu.memory_space<semaphore_mem>>) src(%dma_wait3A_170 : memref<10000x128xf32, #tpu.memory_space<hbm>>) dst(%arg9 : memref<128x128xf32, #tpu.memory_space<vmem>>)
      %add3A_171 = arith.constant 1 : i32
      %add3A_172 = arith.addi %mul3A_146, %add3A_171 : i32
      "tpu.region"() ({
        %run_scoped3A_173 = tpu.sem_alloc : memref<!tpu.dma_semaphore, #tpu.memory_space<semaphore_mem>>
        %dma_start3A_174 = arith.constant 0 : i32
        %dma_start3A_175 = tpu.memref_slice %arg7[%add3A_172, %dma_start3A_174] : memref<40x128xi32, #tpu.memory_space<vmem>> -> memref<1x128xi32, #tpu.memory_space<vmem>>
        %dma_start3A_176 = tpu.memref_squeeze %dma_start3A_175 : memref<1x128xi32, #tpu.memory_space<vmem>> -> memref<128xi32, #tpu.memory_space<vmem>>
        %dma_start3A_177 = arith.constant 0 : i32
        %dma_start3A_178 = arith.constant 0 : i32
        %dma_start3A_179 = tpu.memref_slice %arg10[%dma_start3A_177, %dma_start3A_178] : memref<10240x128xf32, #tpu.memory_space<vmem_shared>> -> memref<10240x128xf32, #tpu.memory_space<vmem_shared>>
        tpu.enqueue_indirect_dma source(%arg9 : memref<128x128xf32, #tpu.memory_space<vmem>>) target(%dma_start3A_179 : memref<10240x128xf32, #tpu.memory_space<vmem_shared>>) offsets(%dma_start3A_176 : memref<128xi32, #tpu.memory_space<vmem>>) semaphore(%run_scoped3A_173 : memref<!tpu.dma_semaphore, #tpu.memory_space<semaphore_mem>>) {add = true}
        %dma_wait3A_180 = arith.constant 0 : i32
        %dma_wait3A_181 = tpu.memref_slice %arg7[%add3A_172, %dma_wait3A_180] : memref<40x128xi32, #tpu.memory_space<vmem>> -> memref<1x128xi32, #tpu.memory_space<vmem>>
        %dma_wait3A_182 = tpu.memref_squeeze %dma_wait3A_181 : memref<1x128xi32, #tpu.memory_space<vmem>> -> memref<128xi32, #tpu.memory_space<vmem>>
        %dma_wait3A_183 = arith.constant 0 : i32
        %dma_wait3A_184 = arith.constant 0 : i32
        %dma_wait3A_185 = tpu.memref_slice %arg10[%dma_wait3A_183, %dma_wait3A_184] : memref<10240x128xf32, #tpu.memory_space<vmem_shared>> -> memref<10240x128xf32, #tpu.memory_space<vmem_shared>>
        tpu.wait_indirect_dma semaphore(%run_scoped3A_173 : memref<!tpu.dma_semaphore, #tpu.memory_space<semaphore_mem>>) src(%arg9 : memref<128x128xf32, #tpu.memory_space<vmem>>) dst(%dma_wait3A_185 : memref<10240x128xf32, #tpu.memory_space<vmem_shared>>)
        tpu.yield
      }) : () -> ()
    }
    %scan3A_128 = arith.constant 20 : i32
    %run_scoped3A = arith.constant 0 : i32
    "tpu.region"() ({
      %run_scoped3A_144 = tpu.sem_alloc : memref<!tpu.dma_semaphore, #tpu.memory_space<semaphore_mem>>
      %dma_start3A_145 = arith.constant 40 : i32
      %dma_start3A_146 = arith.constant 0 : i32
      %dma_start3A_147 = tpu.memref_slice %arg3[%run_scoped3A, %add3A, %dma_start3A_145, %dma_start3A_146] : memref<2x32x80x128xi32, #tpu.memory_space<hbm>> -> memref<1x1x40x128xi32, #tpu.memory_space<hbm>>
      %dma_start3A_148 = tpu.memref_squeeze %dma_start3A_147 : memref<1x1x40x128xi32, #tpu.memory_space<hbm>> -> memref<40x128xi32, #tpu.memory_space<hbm>>
      %dma_start3A_149 = arith.constant 40 : i32
      %dma_start3A_150 = arith.constant 0 : i32
      %dma_start3A_151 = tpu.memref_slice %arg3[%run_scoped3A, %add3A, %dma_start3A_149, %dma_start3A_150] : memref<2x32x80x128xi32, #tpu.memory_space<hbm>> -> memref<1x1x40x128xi32, #tpu.memory_space<hbm>>
      %dma_start3A_152 = tpu.memref_squeeze %dma_start3A_151 : memref<1x1x40x128xi32, #tpu.memory_space<hbm>> -> memref<40x128xi32, #tpu.memory_space<hbm>>
      tpu.enqueue_dma source(%dma_start3A_152 : memref<40x128xi32, #tpu.memory_space<hbm>>) target(%arg6 : memref<40x128xi32, #tpu.memory_space<vmem>>) target_semaphore(%run_scoped3A_144 : memref<!tpu.dma_semaphore, #tpu.memory_space<semaphore_mem>>)
      %dma_wait3A_153 = arith.constant 40 : i32
      %dma_wait3A_154 = arith.constant 0 : i32
      %dma_wait3A_155 = tpu.memref_slice %arg3[%run_scoped3A, %add3A, %dma_wait3A_153, %dma_wait3A_154] : memref<2x32x80x128xi32, #tpu.memory_space<hbm>> -> memref<1x1x40x128xi32, #tpu.memory_space<hbm>>
      %dma_wait3A_156 = tpu.memref_squeeze %dma_wait3A_155 : memref<1x1x40x128xi32, #tpu.memory_space<hbm>> -> memref<40x128xi32, #tpu.memory_space<hbm>>
      %dma_wait3A_157 = arith.constant 40 : i32
      %dma_wait3A_158 = arith.constant 0 : i32
      %dma_wait3A_159 = tpu.memref_slice %arg3[%run_scoped3A, %add3A, %dma_wait3A_157, %dma_wait3A_158] : memref<2x32x80x128xi32, #tpu.memory_space<hbm>> -> memref<1x1x40x128xi32, #tpu.memory_space<hbm>>
      %dma_wait3A_160 = tpu.memref_squeeze %dma_wait3A_159 : memref<1x1x40x128xi32, #tpu.memory_space<hbm>> -> memref<40x128xi32, #tpu.memory_space<hbm>>
      tpu.wait_dma2 semaphore(%run_scoped3A_144 : memref<!tpu.dma_semaphore, #tpu.memory_space<semaphore_mem>>) src(%dma_wait3A_160 : memref<40x128xi32, #tpu.memory_space<hbm>>) dst(%arg6 : memref<40x128xi32, #tpu.memory_space<vmem>>)
      tpu.yield
    }) : () -> ()
    %run_scoped3A_129 = arith.constant 1 : i32
    "tpu.region"() ({
      %run_scoped3A_144 = tpu.sem_alloc : memref<!tpu.dma_semaphore, #tpu.memory_space<semaphore_mem>>
      %dma_start3A_145 = arith.constant 40 : i32
      %dma_start3A_146 = arith.constant 0 : i32
      %dma_start3A_147 = tpu.memref_slice %arg3[%run_scoped3A_129, %add3A, %dma_start3A_145, %dma_start3A_146] : memref<2x32x80x128xi32, #tpu.memory_space<hbm>> -> memref<1x1x40x128xi32, #tpu.memory_space<hbm>>
      %dma_start3A_148 = tpu.memref_squeeze %dma_start3A_147 : memref<1x1x40x128xi32, #tpu.memory_space<hbm>> -> memref<40x128xi32, #tpu.memory_space<hbm>>
      %dma_start3A_149 = arith.constant 40 : i32
      %dma_start3A_150 = arith.constant 0 : i32
      %dma_start3A_151 = tpu.memref_slice %arg3[%run_scoped3A_129, %add3A, %dma_start3A_149, %dma_start3A_150] : memref<2x32x80x128xi32, #tpu.memory_space<hbm>> -> memref<1x1x40x128xi32, #tpu.memory_space<hbm>>
      %dma_start3A_152 = tpu.memref_squeeze %dma_start3A_151 : memref<1x1x40x128xi32, #tpu.memory_space<hbm>> -> memref<40x128xi32, #tpu.memory_space<hbm>>
      tpu.enqueue_dma source(%dma_start3A_152 : memref<40x128xi32, #tpu.memory_space<hbm>>) target(%arg7 : memref<40x128xi32, #tpu.memory_space<vmem>>) target_semaphore(%run_scoped3A_144 : memref<!tpu.dma_semaphore, #tpu.memory_space<semaphore_mem>>)
      %dma_wait3A_153 = arith.constant 40 : i32
      %dma_wait3A_154 = arith.constant 0 : i32
      %dma_wait3A_155 = tpu.memref_slice %arg3[%run_scoped3A_129, %add3A, %dma_wait3A_153, %dma_wait3A_154] : memref<2x32x80x128xi32, #tpu.memory_space<hbm>> -> memref<1x1x40x128xi32, #tpu.memory_space<hbm>>
      %dma_wait3A_156 = tpu.memref_squeeze %dma_wait3A_155 : memref<1x1x40x128xi32, #tpu.memory_space<hbm>> -> memref<40x128xi32, #tpu.memory_space<hbm>>
      %dma_wait3A_157 = arith.constant 40 : i32
      %dma_wait3A_158 = arith.constant 0 : i32
      %dma_wait3A_159 = tpu.memref_slice %arg3[%run_scoped3A_129, %add3A, %dma_wait3A_157, %dma_wait3A_158] : memref<2x32x80x128xi32, #tpu.memory_space<hbm>> -> memref<1x1x40x128xi32, #tpu.memory_space<hbm>>
      %dma_wait3A_160 = tpu.memref_squeeze %dma_wait3A_159 : memref<1x1x40x128xi32, #tpu.memory_space<hbm>> -> memref<40x128xi32, #tpu.memory_space<hbm>>
      tpu.wait_dma2 semaphore(%run_scoped3A_144 : memref<!tpu.dma_semaphore, #tpu.memory_space<semaphore_mem>>) src(%dma_wait3A_160 : memref<40x128xi32, #tpu.memory_space<hbm>>) dst(%arg7 : memref<40x128xi32, #tpu.memory_space<vmem>>)
      tpu.yield
    }) : () -> ()
    %dma_start3A_130 = arith.constant 0 : i32
    %dma_start3A_131 = arith.constant 0 : i32
    %dma_start3A_132 = tpu.memref_slice %arg6[%dma_start3A_130, %dma_start3A_131] : memref<40x128xi32, #tpu.memory_space<vmem>> -> memref<1x128xi32, #tpu.memory_space<vmem>>
    %dma_start3A_133 = tpu.memref_squeeze %dma_start3A_132 : memref<1x128xi32, #tpu.memory_space<vmem>> -> memref<128xi32, #tpu.memory_space<vmem>>
    %dma_start3A_134 = arith.constant 0 : i32
    %dma_start3A_135 = arith.constant 0 : i32
    %dma_start3A_136 = tpu.memref_slice %arg2[%dma_start3A_134, %dma_start3A_135] : memref<10000x128xf32, #tpu.memory_space<hbm>> -> memref<10000x128xf32, #tpu.memory_space<hbm>>
    tpu.enqueue_indirect_dma source(%dma_start3A_136 : memref<10000x128xf32, #tpu.memory_space<hbm>>) target(%arg8 : memref<128x128xf32, #tpu.memory_space<vmem>>) offsets(%dma_start3A_133 : memref<128xi32, #tpu.memory_space<vmem>>) semaphore(%arg11 : memref<!tpu.dma_semaphore, #tpu.memory_space<semaphore_mem>>)
    %scan3A_137 = arith.constant 0 : i32
    %scan3A_138 = arith.constant 0 : i32
    %scan3A_139 = arith.constant 20 : i32
    %scan3A_140 = arith.addi %scan3A_138, %scan3A_139 : i32
    %scan3A_141 = arith.constant 1 : i32
    scf.for %scan3A_144 = %scan3A_138 to %scan3A_140 step %scan3A_141  : i32 {
      %mul3A_145 = arith.constant 2 : i32
      %mul3A_146 = arith.muli %mul3A_145, %scan3A_144 : i32
      %add3A_147 = arith.constant 1 : i32
      %add3A_148 = arith.addi %mul3A_146, %add3A_147 : i32
      %dma_start3A_149 = arith.constant 0 : i32
      %dma_start3A_150 = tpu.memref_slice %arg6[%add3A_148, %dma_start3A_149] : memref<40x128xi32, #tpu.memory_space<vmem>> -> memref<1x128xi32, #tpu.memory_space<vmem>>
      %dma_start3A_151 = tpu.memref_squeeze %dma_start3A_150 : memref<1x128xi32, #tpu.memory_space<vmem>> -> memref<128xi32, #tpu.memory_space<vmem>>
      %dma_start3A_152 = arith.constant 0 : i32
      %dma_start3A_153 = arith.constant 0 : i32
      %dma_start3A_154 = tpu.memref_slice %arg2[%dma_start3A_152, %dma_start3A_153] : memref<10000x128xf32, #tpu.memory_space<hbm>> -> memref<10000x128xf32, #tpu.memory_space<hbm>>
      tpu.enqueue_indirect_dma source(%dma_start3A_154 : memref<10000x128xf32, #tpu.memory_space<hbm>>) target(%arg9 : memref<128x128xf32, #tpu.memory_space<vmem>>) offsets(%dma_start3A_151 : memref<128xi32, #tpu.memory_space<vmem>>) semaphore(%arg12 : memref<!tpu.dma_semaphore, #tpu.memory_space<semaphore_mem>>)
      %dma_wait3A_155 = arith.constant 0 : i32
      %dma_wait3A_156 = tpu.memref_slice %arg6[%mul3A_146, %dma_wait3A_155] : memref<40x128xi32, #tpu.memory_space<vmem>> -> memref<1x128xi32, #tpu.memory_space<vmem>>
      %dma_wait3A_157 = tpu.memref_squeeze %dma_wait3A_156 : memref<1x128xi32, #tpu.memory_space<vmem>> -> memref<128xi32, #tpu.memory_space<vmem>>
      %dma_wait3A_158 = arith.constant 0 : i32
      %dma_wait3A_159 = arith.constant 0 : i32
      %dma_wait3A_160 = tpu.memref_slice %arg2[%dma_wait3A_158, %dma_wait3A_159] : memref<10000x128xf32, #tpu.memory_space<hbm>> -> memref<10000x128xf32, #tpu.memory_space<hbm>>
      tpu.wait_indirect_dma semaphore(%arg11 : memref<!tpu.dma_semaphore, #tpu.memory_space<semaphore_mem>>) src(%dma_wait3A_160 : memref<10000x128xf32, #tpu.memory_space<hbm>>) dst(%arg8 : memref<128x128xf32, #tpu.memory_space<vmem>>)
      "tpu.region"() ({
        %run_scoped3A_173 = tpu.sem_alloc : memref<!tpu.dma_semaphore, #tpu.memory_space<semaphore_mem>>
        %dma_start3A_174 = arith.constant 0 : i32
        %dma_start3A_175 = tpu.memref_slice %arg7[%mul3A_146, %dma_start3A_174] : memref<40x128xi32, #tpu.memory_space<vmem>> -> memref<1x128xi32, #tpu.memory_space<vmem>>
        %dma_start3A_176 = tpu.memref_squeeze %dma_start3A_175 : memref<1x128xi32, #tpu.memory_space<vmem>> -> memref<128xi32, #tpu.memory_space<vmem>>
        %dma_start3A_177 = arith.constant 0 : i32
        %dma_start3A_178 = arith.constant 0 : i32
        %dma_start3A_179 = tpu.memref_slice %arg10[%dma_start3A_177, %dma_start3A_178] : memref<10240x128xf32, #tpu.memory_space<vmem_shared>> -> memref<10240x128xf32, #tpu.memory_space<vmem_shared>>
        tpu.enqueue_indirect_dma source(%arg8 : memref<128x128xf32, #tpu.memory_space<vmem>>) target(%dma_start3A_179 : memref<10240x128xf32, #tpu.memory_space<vmem_shared>>) offsets(%dma_start3A_176 : memref<128xi32, #tpu.memory_space<vmem>>) semaphore(%run_scoped3A_173 : memref<!tpu.dma_semaphore, #tpu.memory_space<semaphore_mem>>) {add = true}
        %dma_wait3A_180 = arith.constant 0 : i32
        %dma_wait3A_181 = tpu.memref_slice %arg7[%mul3A_146, %dma_wait3A_180] : memref<40x128xi32, #tpu.memory_space<vmem>> -> memref<1x128xi32, #tpu.memory_space<vmem>>
        %dma_wait3A_182 = tpu.memref_squeeze %dma_wait3A_181 : memref<1x128xi32, #tpu.memory_space<vmem>> -> memref<128xi32, #tpu.memory_space<vmem>>
        %dma_wait3A_183 = arith.constant 0 : i32
        %dma_wait3A_184 = arith.constant 0 : i32
        %dma_wait3A_185 = tpu.memref_slice %arg10[%dma_wait3A_183, %dma_wait3A_184] : memref<10240x128xf32, #tpu.memory_space<vmem_shared>> -> memref<10240x128xf32, #tpu.memory_space<vmem_shared>>
        tpu.wait_indirect_dma semaphore(%run_scoped3A_173 : memref<!tpu.dma_semaphore, #tpu.memory_space<semaphore_mem>>) src(%arg8 : memref<128x128xf32, #tpu.memory_space<vmem>>) dst(%dma_wait3A_185 : memref<10240x128xf32, #tpu.memory_space<vmem_shared>>)
        tpu.yield
      }) : () -> ()
      %lt3A = arith.constant 19 : i32
      %lt3A_161 = arith.cmpi slt, %scan3A_144, %lt3A : i32
      %convert_element_type3A = arith.extui %lt3A_161 : i1 to i32
      %cond3A = arith.constant 0 : i32
      %cond3A_162 = arith.cmpi ne, %convert_element_type3A, %cond3A : i32
      scf.if %cond3A_162 {
        %add3A_173 = arith.constant 2 : i32
        %add3A_174 = arith.addi %mul3A_146, %add3A_173 : i32
        %dma_start3A_175 = arith.constant 0 : i32
        %dma_start3A_176 = tpu.memref_slice %arg6[%add3A_174, %dma_start3A_175] : memref<40x128xi32, #tpu.memory_space<vmem>> -> memref<1x128xi32, #tpu.memory_space<vmem>>
        %dma_start3A_177 = tpu.memref_squeeze %dma_start3A_176 : memref<1x128xi32, #tpu.memory_space<vmem>> -> memref<128xi32, #tpu.memory_space<vmem>>
        %dma_start3A_178 = arith.constant 0 : i32
        %dma_start3A_179 = arith.constant 0 : i32
        %dma_start3A_180 = tpu.memref_slice %arg2[%dma_start3A_178, %dma_start3A_179] : memref<10000x128xf32, #tpu.memory_space<hbm>> -> memref<10000x128xf32, #tpu.memory_space<hbm>>
        tpu.enqueue_indirect_dma source(%dma_start3A_180 : memref<10000x128xf32, #tpu.memory_space<hbm>>) target(%arg8 : memref<128x128xf32, #tpu.memory_space<vmem>>) offsets(%dma_start3A_177 : memref<128xi32, #tpu.memory_space<vmem>>) semaphore(%arg11 : memref<!tpu.dma_semaphore, #tpu.memory_space<semaphore_mem>>)
      } else {
      }
      %add3A_163 = arith.constant 1 : i32
      %add3A_164 = arith.addi %mul3A_146, %add3A_163 : i32
      %dma_wait3A_165 = arith.constant 0 : i32
      %dma_wait3A_166 = tpu.memref_slice %arg6[%add3A_164, %dma_wait3A_165] : memref<40x128xi32, #tpu.memory_space<vmem>> -> memref<1x128xi32, #tpu.memory_space<vmem>>
      %dma_wait3A_167 = tpu.memref_squeeze %dma_wait3A_166 : memref<1x128xi32, #tpu.memory_space<vmem>> -> memref<128xi32, #tpu.memory_space<vmem>>
      %dma_wait3A_168 = arith.constant 0 : i32
      %dma_wait3A_169 = arith.constant 0 : i32
      %dma_wait3A_170 = tpu.memref_slice %arg2[%dma_wait3A_168, %dma_wait3A_169] : memref<10000x128xf32, #tpu.memory_space<hbm>> -> memref<10000x128xf32, #tpu.memory_space<hbm>>
      tpu.wait_indirect_dma semaphore(%arg12 : memref<!tpu.dma_semaphore, #tpu.memory_space<semaphore_mem>>) src(%dma_wait3A_170 : memref<10000x128xf32, #tpu.memory_space<hbm>>) dst(%arg9 : memref<128x128xf32, #tpu.memory_space<vmem>>)
      %add3A_171 = arith.constant 1 : i32
      %add3A_172 = arith.addi %mul3A_146, %add3A_171 : i32
      "tpu.region"() ({
        %run_scoped3A_173 = tpu.sem_alloc : memref<!tpu.dma_semaphore, #tpu.memory_space<semaphore_mem>>
        %dma_start3A_174 = arith.constant 0 : i32
        %dma_start3A_175 = tpu.memref_slice %arg7[%add3A_172, %dma_start3A_174] : memref<40x128xi32, #tpu.memory_space<vmem>> -> memref<1x128xi32, #tpu.memory_space<vmem>>
        %dma_start3A_176 = tpu.memref_squeeze %dma_start3A_175 : memref<1x128xi32, #tpu.memory_space<vmem>> -> memref<128xi32, #tpu.memory_space<vmem>>
        %dma_start3A_177 = arith.constant 0 : i32
        %dma_start3A_178 = arith.constant 0 : i32
        %dma_start3A_179 = tpu.memref_slice %arg10[%dma_start3A_177, %dma_start3A_178] : memref<10240x128xf32, #tpu.memory_space<vmem_shared>> -> memref<10240x128xf32, #tpu.memory_space<vmem_shared>>
        tpu.enqueue_indirect_dma source(%arg9 : memref<128x128xf32, #tpu.memory_space<vmem>>) target(%dma_start3A_179 : memref<10240x128xf32, #tpu.memory_space<vmem_shared>>) offsets(%dma_start3A_176 : memref<128xi32, #tpu.memory_space<vmem>>) semaphore(%run_scoped3A_173 : memref<!tpu.dma_semaphore, #tpu.memory_space<semaphore_mem>>) {add = true}
        %dma_wait3A_180 = arith.constant 0 : i32
        %dma_wait3A_181 = tpu.memref_slice %arg7[%add3A_172, %dma_wait3A_180] : memref<40x128xi32, #tpu.memory_space<vmem>> -> memref<1x128xi32, #tpu.memory_space<vmem>>
        %dma_wait3A_182 = tpu.memref_squeeze %dma_wait3A_181 : memref<1x128xi32, #tpu.memory_space<vmem>> -> memref<128xi32, #tpu.memory_space<vmem>>
        %dma_wait3A_183 = arith.constant 0 : i32
        %dma_wait3A_184 = arith.constant 0 : i32
        %dma_wait3A_185 = tpu.memref_slice %arg10[%dma_wait3A_183, %dma_wait3A_184] : memref<10240x128xf32, #tpu.memory_space<vmem_shared>> -> memref<10240x128xf32, #tpu.memory_space<vmem_shared>>
        tpu.wait_indirect_dma semaphore(%run_scoped3A_173 : memref<!tpu.dma_semaphore, #tpu.memory_space<semaphore_mem>>) src(%arg9 : memref<128x128xf32, #tpu.memory_space<vmem>>) dst(%dma_wait3A_185 : memref<10240x128xf32, #tpu.memory_space<vmem_shared>>)
        tpu.yield
      }) : () -> ()
    }
    %scan3A_142 = arith.constant 20 : i32
    %barrier3A_143 = arith.constant 0 : index
    tpu.barrier barrier_id(%barrier3A_143)
    "tpu.region"() ({
      %run_scoped3A_144 = tpu.sem_alloc : memref<!tpu.dma_semaphore, #tpu.memory_space<semaphore_mem>>
      %dma_start3A_145 = arith.constant 0 : i32
      %dma_start3A_146 = tpu.memref_slice %arg5[%arg0, %mul3A_2, %dma_start3A_145] : memref<2x10240x128xf32, #tpu.memory_space<hbm>> -> memref<1x640x128xf32, #tpu.memory_space<hbm>>
      %dma_start3A_147 = tpu.memref_squeeze %dma_start3A_146 : memref<1x640x128xf32, #tpu.memory_space<hbm>> -> memref<640x128xf32, #tpu.memory_space<hbm>>
      %dma_start3A_148 = arith.constant 0 : i32
      %dma_start3A_149 = tpu.memref_slice %arg10[%mul3A_2, %dma_start3A_148] : memref<10240x128xf32, #tpu.memory_space<vmem_shared>> -> memref<640x128xf32, #tpu.memory_space<vmem_shared>>
      tpu.enqueue_dma source(%dma_start3A_149 : memref<640x128xf32, #tpu.memory_space<vmem_shared>>) target(%dma_start3A_147 : memref<640x128xf32, #tpu.memory_space<hbm>>) target_semaphore(%run_scoped3A_144 : memref<!tpu.dma_semaphore, #tpu.memory_space<semaphore_mem>>)
      %dma_wait3A_150 = arith.constant 0 : i32
      %dma_wait3A_151 = tpu.memref_slice %arg5[%arg0, %mul3A_2, %dma_wait3A_150] : memref<2x10240x128xf32, #tpu.memory_space<hbm>> -> memref<1x640x128xf32, #tpu.memory_space<hbm>>
      %dma_wait3A_152 = tpu.memref_squeeze %dma_wait3A_151 : memref<1x640x128xf32, #tpu.memory_space<hbm>> -> memref<640x128xf32, #tpu.memory_space<hbm>>
      %dma_wait3A_153 = arith.constant 0 : i32
      %dma_wait3A_154 = tpu.memref_slice %arg10[%mul3A_2, %dma_wait3A_153] : memref<10240x128xf32, #tpu.memory_space<vmem_shared>> -> memref<640x128xf32, #tpu.memory_space<vmem_shared>>
      tpu.wait_dma2 semaphore(%run_scoped3A_144 : memref<!tpu.dma_semaphore, #tpu.memory_space<semaphore_mem>>) src(%dma_wait3A_154 : memref<640x128xf32, #tpu.memory_space<vmem_shared>>) dst(%dma_wait3A_152 : memref<640x128xf32, #tpu.memory_space<hbm>>)
      tpu.yield
    }) : () -> ()
    return
  }
}

module attributes {stable_mosaic.version = 14 : i64} {
  func.func @_tc_mm_body(%arg0: i32, %arg1: memref<2000x128xf32, #tpu.memory_space<vmem>>, %arg2: memref<128x128xf32, #tpu.memory_space<vmem>>, %arg3: memref<2000x128xf32, #tpu.memory_space<vmem>>) attributes {dimension_semantics = [#tpu.dimension_semantics<arbitrary>], iteration_bounds = array<i64: 5>, scalar_prefetch = 0 : i64, scratch_operands = 0 : i64, tpu.core_type = #tpu.core_type<tc>, window_params = [{transform_indices = @transform_0, window_bounds = array<i64: 2000, 128>}, {pipeline_mode = #tpu.pipeline_mode<synchronous>, transform_indices = @transform_1, window_bounds = array<i64: 128, 128>}, {transform_indices = @transform_2, window_bounds = array<i64: 2000, 128>}]} {
    %get3A = arith.constant 0 : index
    %get3A_0 = arith.constant 0 : index
    %get3A_1 = vector.load %arg1[%get3A, %get3A_0] : memref<2000x128xf32, #tpu.memory_space<vmem>>, vector<2000x128xf32>
    %get3A_2 = arith.constant 0 : index
    %get3A_3 = arith.constant 0 : index
    %get3A_4 = vector.load %arg2[%get3A_2, %get3A_3] : memref<128x128xf32, #tpu.memory_space<vmem>>, vector<128x128xf32>
    %dot_general3A = arith.constant dense<0.000000e+00> : vector<2000x128xf32>
    %dot_general3A_5 = tpu.matmul %get3A_1, %get3A_4, %dot_general3A {dimension_numbers = #tpu.dot_dimension_numbers<[1], [0], [0], [1], [0, 0, 1, 1], [], []>, transpose_lhs_hint = false} : vector<2000x128xf32>, vector<128x128xf32>, vector<2000x128xf32> -> vector<2000x128xf32>
    %swap3A = arith.constant 0 : index
    %swap3A_6 = arith.constant 0 : index
    %swap3A_7 = vector.load %arg3[%swap3A, %swap3A_6] : memref<2000x128xf32, #tpu.memory_space<vmem>>, vector<2000x128xf32>
    tpu.vector_store %arg3[%swap3A, %swap3A_6], %dot_general3A_5 {strides = array<i32>} : memref<2000x128xf32, #tpu.memory_space<vmem>>, vector<2000x128xf32>,
    return
  }
  func.func @transform_0(%arg0: i32) -> (i32, i32) {
    %c0_i32 = arith.constant 0 : i32
    %c0_i32_0 = arith.constant 0 : i32
    return %arg0, %c0_i32 : i32, i32
  }
  func.func @transform_1(%arg0: i32) -> (i32, i32) {
    %c0_i32 = arith.constant 0 : i32
    %c0_i32_0 = arith.constant 0 : i32
    %c0_i32_1 = arith.constant 0 : i32
    return %c0_i32, %c0_i32_0 : i32, i32
  }
  func.func @transform_2(%arg0: i32) -> (i32, i32) {
    %c0_i32 = arith.constant 0 : i32
    %c0_i32_0 = arith.constant 0 : i32
    return %arg0, %c0_i32 : i32, i32
  }
}

module attributes {stable_mosaic.version = 14 : i64} {
  func.func @_tc1_body(%arg0: i32, %arg1: memref<2x2x2000x1xf32, #tpu.memory_space<vmem>>, %arg2: memref<2000x128xf32, #tpu.memory_space<vmem>>, %arg3: memref<2000x1xf32, #tpu.memory_space<vmem>>, %arg4: memref<2000x1xf32, #tpu.memory_space<vmem>>, %arg5: memref<2000x128xf32, #tpu.memory_space<vmem>>) attributes {dimension_semantics = [#tpu.dimension_semantics<arbitrary>], iteration_bounds = array<i64: 5>, scalar_prefetch = 0 : i64, scratch_operands = 0 : i64, tpu.core_type = #tpu.core_type<tc>, window_params = [{transform_indices = @transform_0, window_bounds = array<i64: 2, 2, 2000, 1>}, {transform_indices = @transform_1, window_bounds = array<i64: 2000, 128>}, {transform_indices = @transform_2, window_bounds = array<i64: 2000, 1>}, {transform_indices = @transform_3, window_bounds = array<i64: 2000, 1>}, {transform_indices = @transform_4, window_bounds = array<i64: 2000, 128>}]} {
    %iota3A = tpu.iota {dimensions = array<i32: 0>} : vector<2000x1xi32>
    %mul3A = arith.constant 2000 : i32
    %mul3A_0 = arith.muli %arg0, %mul3A : i32
    %add3A = vector.broadcast %mul3A_0 : i32 to vector<2000x1xi32>
    %add3A_1 = arith.addi %iota3A, %add3A : vector<2000x1xi32>
    %lt3A = arith.constant 240 : i32
    %lt3A_2 = vector.broadcast %lt3A : i32 to vector<2000x1xi32>
    %lt3A_3 = arith.cmpi slt, %add3A_1, %lt3A_2 : vector<2000x1xi32>
    %jit3A = arith.constant 3.200000e+01 : f32
    %jit3A_4 = arith.constant 0.000000e+00 : f32
    %broadcast_in_dim3A = vector.broadcast %jit3A : f32 to vector<2000x1xf32>
    %broadcast_in_dim3A_5 = vector.broadcast %jit3A_4 : f32 to vector<2000x1xf32>
    %select_n3A = arith.select %lt3A_3, %broadcast_in_dim3A, %broadcast_in_dim3A_5 : vector<2000x1xi1>, vector<2000x1xf32>
    %get3A = arith.constant 0 : index
    %get3A_6 = arith.constant 0 : index
    %get3A_7 = arith.constant 0 : index
    %get3A_8 = arith.constant 0 : index
    %get3A_9 = vector.load %arg1[%get3A, %get3A_6, %get3A_7, %get3A_8] : memref<2x2x2000x1xf32, #tpu.memory_space<vmem>>, vector<1x1x2000x1xf32>
    %get3A_10 = vector.shape_cast %get3A_9 : vector<1x1x2000x1xf32> to vector<2000x1xf32>
    %get3A_11 = arith.constant 1 : index
    %get3A_12 = arith.constant 0 : index
    %get3A_13 = arith.constant 0 : index
    %get3A_14 = arith.constant 0 : index
    %get3A_15 = vector.load %arg1[%get3A_11, %get3A_12, %get3A_13, %get3A_14] : memref<2x2x2000x1xf32, #tpu.memory_space<vmem>>, vector<1x1x2000x1xf32>
    %get3A_16 = vector.shape_cast %get3A_15 : vector<1x1x2000x1xf32> to vector<2000x1xf32>
    %add3A_17 = arith.addf %get3A_10, %get3A_16 : vector<2000x1xf32>
    %sub3A = arith.subf %add3A_17, %select_n3A : vector<2000x1xf32>
    %get3A_18 = arith.constant 0 : index
    %get3A_19 = arith.constant 1 : index
    %get3A_20 = arith.constant 0 : index
    %get3A_21 = arith.constant 0 : index
    %get3A_22 = vector.load %arg1[%get3A_18, %get3A_19, %get3A_20, %get3A_21] : memref<2x2x2000x1xf32, #tpu.memory_space<vmem>>, vector<1x1x2000x1xf32>
    %get3A_23 = vector.shape_cast %get3A_22 : vector<1x1x2000x1xf32> to vector<2000x1xf32>
    %get3A_24 = arith.constant 1 : index
    %get3A_25 = arith.constant 1 : index
    %get3A_26 = arith.constant 0 : index
    %get3A_27 = arith.constant 0 : index
    %get3A_28 = vector.load %arg1[%get3A_24, %get3A_25, %get3A_26, %get3A_27] : memref<2x2x2000x1xf32, #tpu.memory_space<vmem>>, vector<1x1x2000x1xf32>
    %get3A_29 = vector.shape_cast %get3A_28 : vector<1x1x2000x1xf32> to vector<2000x1xf32>
    %add3A_30 = arith.addf %get3A_23, %get3A_29 : vector<2000x1xf32>
    %max3A = arith.constant 1.000000e+00 : f32
    %max3A_31 = vector.broadcast %max3A : f32 to vector<2000x1xf32>
    %max3A_32 = arith.maximumf %sub3A, %max3A_31 : vector<2000x1xf32>
    %rsqrt3A = math.rsqrt %max3A_32 : vector<2000x1xf32>
    %max3A_33 = arith.constant 1.000000e+00 : f32
    %max3A_34 = vector.broadcast %max3A_33 : f32 to vector<2000x1xf32>
    %max3A_35 = arith.maximumf %add3A_30, %max3A_34 : vector<2000x1xf32>
    %rsqrt3A_36 = math.rsqrt %max3A_35 : vector<2000x1xf32>
    %swap3A = arith.constant 0 : index
    %swap3A_37 = arith.constant 0 : index
    %swap3A_38 = vector.load %arg3[%swap3A, %swap3A_37] : memref<2000x1xf32, #tpu.memory_space<vmem>>, vector<2000x1xf32>
    tpu.vector_store %arg3[%swap3A, %swap3A_37], %rsqrt3A {strides = array<i32>} : memref<2000x1xf32, #tpu.memory_space<vmem>>, vector<2000x1xf32>,
    %swap3A_39 = arith.constant 0 : index
    %swap3A_40 = arith.constant 0 : index
    %swap3A_41 = vector.load %arg4[%swap3A_39, %swap3A_40] : memref<2000x1xf32, #tpu.memory_space<vmem>>, vector<2000x1xf32>
    tpu.vector_store %arg4[%swap3A_39, %swap3A_40], %rsqrt3A_36 {strides = array<i32>} : memref<2000x1xf32, #tpu.memory_space<vmem>>, vector<2000x1xf32>,
    %get3A_42 = arith.constant 0 : index
    %get3A_43 = arith.constant 0 : index
    %get3A_44 = vector.load %arg2[%get3A_42, %get3A_43] : memref<2000x128xf32, #tpu.memory_space<vmem>>, vector<2000x128xf32>
    %mul3A_45 = vector.broadcast %rsqrt3A : vector<2000x1xf32> to vector<2000x128xf32>
    %mul3A_46 = arith.mulf %get3A_44, %mul3A_45 : vector<2000x128xf32>
    %swap3A_47 = arith.constant 0 : index
    %swap3A_48 = arith.constant 0 : index
    %swap3A_49 = vector.load %arg5[%swap3A_47, %swap3A_48] : memref<2000x128xf32, #tpu.memory_space<vmem>>, vector<2000x128xf32>
    tpu.vector_store %arg5[%swap3A_47, %swap3A_48], %mul3A_46 {strides = array<i32>} : memref<2000x128xf32, #tpu.memory_space<vmem>>, vector<2000x128xf32>,
    return
  }
  func.func @transform_0(%arg0: i32) -> (i32, i32, i32, i32) {
    %c0_i32 = arith.constant 0 : i32
    %c0_i32_0 = arith.constant 0 : i32
    %c0_i32_1 = arith.constant 0 : i32
    %c0_i32_2 = arith.constant 0 : i32
    return %c0_i32, %c0_i32_0, %arg0, %c0_i32_1 : i32, i32, i32, i32
  }
  func.func @transform_1(%arg0: i32) -> (i32, i32) {
    %c0_i32 = arith.constant 0 : i32
    %c0_i32_0 = arith.constant 0 : i32
    return %arg0, %c0_i32 : i32, i32
  }
  func.func @transform_2(%arg0: i32) -> (i32, i32) {
    %c0_i32 = arith.constant 0 : i32
    %c0_i32_0 = arith.constant 0 : i32
    return %arg0, %c0_i32 : i32, i32
  }
  func.func @transform_3(%arg0: i32) -> (i32, i32) {
    %c0_i32 = arith.constant 0 : i32
    %c0_i32_0 = arith.constant 0 : i32
    return %arg0, %c0_i32 : i32, i32
  }
  func.func @transform_4(%arg0: i32) -> (i32, i32) {
    %c0_i32 = arith.constant 0 : i32
    %c0_i32_0 = arith.constant 0 : i32
    return %arg0, %c0_i32 : i32, i32
  }
}

module attributes {stable_mosaic.version = 14 : i64} {
  func.func @_tc_mid_body(%arg0: i32, %arg1: memref<2x2000x128xf32, #tpu.memory_space<vmem>>, %arg2: memref<2000x1xf32, #tpu.memory_space<vmem>>, %arg3: memref<1x128xf32, #tpu.memory_space<vmem>>, %arg4: memref<2000x1xf32, #tpu.memory_space<vmem>>, %arg5: memref<128x128xf32, #tpu.memory_space<vmem>>, %arg6: memref<2000x128xf32, #tpu.memory_space<vmem>>) attributes {dimension_semantics = [#tpu.dimension_semantics<arbitrary>], iteration_bounds = array<i64: 5>, scalar_prefetch = 0 : i64, scratch_operands = 0 : i64, tpu.core_type = #tpu.core_type<tc>, window_params = [{transform_indices = @transform_0, window_bounds = array<i64: 2, 2000, 128>}, {transform_indices = @transform_1, window_bounds = array<i64: 2000, 1>}, {pipeline_mode = #tpu.pipeline_mode<synchronous>, transform_indices = @transform_2, window_bounds = array<i64: 1, 128>}, {transform_indices = @transform_3, window_bounds = array<i64: 2000, 1>}, {pipeline_mode = #tpu.pipeline_mode<synchronous>, transform_indices = @transform_4, window_bounds = array<i64: 128, 128>}, {transform_indices = @transform_5, window_bounds = array<i64: 2000, 128>}]} {
    %get3A = arith.constant 0 : index
    %get3A_0 = arith.constant 0 : index
    %get3A_1 = arith.constant 0 : index
    %get3A_2 = vector.load %arg1[%get3A, %get3A_0, %get3A_1] : memref<2x2000x128xf32, #tpu.memory_space<vmem>>, vector<1x2000x128xf32>
    %get3A_3 = vector.shape_cast %get3A_2 : vector<1x2000x128xf32> to vector<2000x128xf32>
    %get3A_4 = arith.constant 1 : index
    %get3A_5 = arith.constant 0 : index
    %get3A_6 = arith.constant 0 : index
    %get3A_7 = vector.load %arg1[%get3A_4, %get3A_5, %get3A_6] : memref<2x2000x128xf32, #tpu.memory_space<vmem>>, vector<1x2000x128xf32>
    %get3A_8 = vector.shape_cast %get3A_7 : vector<1x2000x128xf32> to vector<2000x128xf32>
    %add3A = arith.addf %get3A_3, %get3A_8 : vector<2000x128xf32>
    %get3A_9 = arith.constant 0 : index
    %get3A_10 = arith.constant 0 : index
    %get3A_11 = vector.load %arg2[%get3A_9, %get3A_10] : memref<2000x1xf32, #tpu.memory_space<vmem>>, vector<2000x1xf32>
    %mul3A = vector.broadcast %get3A_11 : vector<2000x1xf32> to vector<2000x128xf32>
    %mul3A_12 = arith.mulf %add3A, %mul3A : vector<2000x128xf32>
    %get3A_13 = arith.constant 0 : index
    %get3A_14 = arith.constant 0 : index
    %get3A_15 = vector.load %arg3[%get3A_13, %get3A_14] : memref<1x128xf32, #tpu.memory_space<vmem>>, vector<1x128xf32>
    %add3A_16 = vector.broadcast %get3A_15 : vector<1x128xf32> to vector<2000x128xf32>
    %add3A_17 = arith.addf %mul3A_12, %add3A_16 : vector<2000x128xf32>
    %max3A = arith.constant 0.000000e+00 : f32
    %max3A_18 = vector.broadcast %max3A : f32 to vector<2000x128xf32>
    %max3A_19 = arith.maximumf %add3A_17, %max3A_18 : vector<2000x128xf32>
    %get3A_20 = arith.constant 0 : index
    %get3A_21 = arith.constant 0 : index
    %get3A_22 = vector.load %arg4[%get3A_20, %get3A_21] : memref<2000x1xf32, #tpu.memory_space<vmem>>, vector<2000x1xf32>
    %mul3A_23 = vector.broadcast %get3A_22 : vector<2000x1xf32> to vector<2000x128xf32>
    %mul3A_24 = arith.mulf %max3A_19, %mul3A_23 : vector<2000x128xf32>
    %get3A_25 = arith.constant 0 : index
    %get3A_26 = arith.constant 0 : index
    %get3A_27 = vector.load %arg5[%get3A_25, %get3A_26] : memref<128x128xf32, #tpu.memory_space<vmem>>, vector<128x128xf32>
    %dot_general3A = arith.constant dense<0.000000e+00> : vector<2000x128xf32>
    %dot_general3A_28 = tpu.matmul %mul3A_24, %get3A_27, %dot_general3A {dimension_numbers = #tpu.dot_dimension_numbers<[1], [0], [0], [1], [0, 0, 1, 1], [], []>, transpose_lhs_hint = false} : vector<2000x128xf32>, vector<128x128xf32>, vector<2000x128xf32> -> vector<2000x128xf32>
    %swap3A = arith.constant 0 : index
    %swap3A_29 = arith.constant 0 : index
    %swap3A_30 = vector.load %arg6[%swap3A, %swap3A_29] : memref<2000x128xf32, #tpu.memory_space<vmem>>, vector<2000x128xf32>
    tpu.vector_store %arg6[%swap3A, %swap3A_29], %dot_general3A_28 {strides = array<i32>} : memref<2000x128xf32, #tpu.memory_space<vmem>>, vector<2000x128xf32>,
    return
  }
  func.func @transform_0(%arg0: i32) -> (i32, i32, i32) {
    %c0_i32 = arith.constant 0 : i32
    %c0_i32_0 = arith.constant 0 : i32
    %c0_i32_1 = arith.constant 0 : i32
    return %c0_i32, %arg0, %c0_i32_0 : i32, i32, i32
  }
  func.func @transform_1(%arg0: i32) -> (i32, i32) {
    %c0_i32 = arith.constant 0 : i32
    %c0_i32_0 = arith.constant 0 : i32
    return %arg0, %c0_i32 : i32, i32
  }
  func.func @transform_2(%arg0: i32) -> (i32, i32) {
    %c0_i32 = arith.constant 0 : i32
    %c0_i32_0 = arith.constant 0 : i32
    %c0_i32_1 = arith.constant 0 : i32
    return %c0_i32, %c0_i32_0 : i32, i32
  }
  func.func @transform_3(%arg0: i32) -> (i32, i32) {
    %c0_i32 = arith.constant 0 : i32
    %c0_i32_0 = arith.constant 0 : i32
    return %arg0, %c0_i32 : i32, i32
  }
  func.func @transform_4(%arg0: i32) -> (i32, i32) {
    %c0_i32 = arith.constant 0 : i32
    %c0_i32_0 = arith.constant 0 : i32
    %c0_i32_1 = arith.constant 0 : i32
    return %c0_i32, %c0_i32_0 : i32, i32
  }
  func.func @transform_5(%arg0: i32) -> (i32, i32) {
    %c0_i32 = arith.constant 0 : i32
    %c0_i32_0 = arith.constant 0 : i32
    return %arg0, %c0_i32 : i32, i32
  }
}

module attributes {stable_mosaic.version = 14 : i64} {
  func.func @_tc_post_body(%arg0: i32, %arg1: memref<2x2000x128xf32, #tpu.memory_space<vmem>>, %arg2: memref<2000x1xf32, #tpu.memory_space<vmem>>, %arg3: memref<1x128xf32, #tpu.memory_space<vmem>>, %arg4: memref<2000x128xf32, #tpu.memory_space<vmem>>) attributes {dimension_semantics = [#tpu.dimension_semantics<arbitrary>], iteration_bounds = array<i64: 5>, scalar_prefetch = 0 : i64, scratch_operands = 0 : i64, tpu.core_type = #tpu.core_type<tc>, window_params = [{transform_indices = @transform_0, window_bounds = array<i64: 2, 2000, 128>}, {transform_indices = @transform_1, window_bounds = array<i64: 2000, 1>}, {pipeline_mode = #tpu.pipeline_mode<synchronous>, transform_indices = @transform_2, window_bounds = array<i64: 1, 128>}, {transform_indices = @transform_3, window_bounds = array<i64: 2000, 128>}]} {
    %get3A = arith.constant 0 : index
    %get3A_0 = arith.constant 0 : index
    %get3A_1 = arith.constant 0 : index
    %get3A_2 = vector.load %arg1[%get3A, %get3A_0, %get3A_1] : memref<2x2000x128xf32, #tpu.memory_space<vmem>>, vector<1x2000x128xf32>
    %get3A_3 = vector.shape_cast %get3A_2 : vector<1x2000x128xf32> to vector<2000x128xf32>
    %get3A_4 = arith.constant 1 : index
    %get3A_5 = arith.constant 0 : index
    %get3A_6 = arith.constant 0 : index
    %get3A_7 = vector.load %arg1[%get3A_4, %get3A_5, %get3A_6] : memref<2x2000x128xf32, #tpu.memory_space<vmem>>, vector<1x2000x128xf32>
    %get3A_8 = vector.shape_cast %get3A_7 : vector<1x2000x128xf32> to vector<2000x128xf32>
    %add3A = arith.addf %get3A_3, %get3A_8 : vector<2000x128xf32>
    %get3A_9 = arith.constant 0 : index
    %get3A_10 = arith.constant 0 : index
    %get3A_11 = vector.load %arg2[%get3A_9, %get3A_10] : memref<2000x1xf32, #tpu.memory_space<vmem>>, vector<2000x1xf32>
    %mul3A = vector.broadcast %get3A_11 : vector<2000x1xf32> to vector<2000x128xf32>
    %mul3A_12 = arith.mulf %add3A, %mul3A : vector<2000x128xf32>
    %get3A_13 = arith.constant 0 : index
    %get3A_14 = arith.constant 0 : index
    %get3A_15 = vector.load %arg3[%get3A_13, %get3A_14] : memref<1x128xf32, #tpu.memory_space<vmem>>, vector<1x128xf32>
    %add3A_16 = vector.broadcast %get3A_15 : vector<1x128xf32> to vector<2000x128xf32>
    %add3A_17 = arith.addf %mul3A_12, %add3A_16 : vector<2000x128xf32>
    %max3A = arith.constant 0.000000e+00 : f32
    %max3A_18 = vector.broadcast %max3A : f32 to vector<2000x128xf32>
    %max3A_19 = arith.maximumf %add3A_17, %max3A_18 : vector<2000x128xf32>
    %swap3A = arith.constant 0 : index
    %swap3A_20 = arith.constant 0 : index
    %swap3A_21 = vector.load %arg4[%swap3A, %swap3A_20] : memref<2000x128xf32, #tpu.memory_space<vmem>>, vector<2000x128xf32>
    tpu.vector_store %arg4[%swap3A, %swap3A_20], %max3A_19 {strides = array<i32>} : memref<2000x128xf32, #tpu.memory_space<vmem>>, vector<2000x128xf32>,
    return
  }
  func.func @transform_0(%arg0: i32) -> (i32, i32, i32) {
    %c0_i32 = arith.constant 0 : i32
    %c0_i32_0 = arith.constant 0 : i32
    %c0_i32_1 = arith.constant 0 : i32
    return %c0_i32, %arg0, %c0_i32_0 : i32, i32, i32
  }
  func.func @transform_1(%arg0: i32) -> (i32, i32) {
    %c0_i32 = arith.constant 0 : i32
    %c0_i32_0 = arith.constant 0 : i32
    return %arg0, %c0_i32 : i32, i32
  }
  func.func @transform_2(%arg0: i32) -> (i32, i32) {
    %c0_i32 = arith.constant 0 : i32
    %c0_i32_0 = arith.constant 0 : i32
    %c0_i32_1 = arith.constant 0 : i32
    return %c0_i32, %c0_i32_0 : i32, i32
  }
  func.func @transform_3(%arg0: i32) -> (i32, i32) {
    %c0_i32 = arith.constant 0 : i32
    %c0_i32_0 = arith.constant 0 : i32
    return %arg0, %c0_i32 : i32, i32
  }
}

</mosaic_0001>

<sc_bundles>
// kernel: kernel.12.cloned.1.call-start
scs
__scs_entry_jumppad:
0x0: {  	(pc) =	sbr.rel $0x88, $3  }
0x1: {  	(tag) =	ssettag $0x0;
	lr =	simm.s32 $0x1  }
0x2: {  	[smem:$0x3F9B] =	sst lr;
	_ =	strace $0xD0000000  }
0x3: {  	_ = 	snop  }
0x4: {  	_ = 	snop  }
0x5: {  	_ = 	snop  }
0x6: {  	_ = 	snop  }
0x7: {  	_ = 	snop  }
__scs_overlays_trampoline_lowered:
0x8: {  	[smem:$0x3FAA] =	sst s0  }
0x9: {  	[smem:$0x3FAB] =	sst s1  }
0xa: {  	[smem:$0x3FAC] =	sst s2  }
0xb: {  	[smem:$0x3FAD] =	sst s3  }
0xc: {  	[smem:$0x3FAE] =	sst s4  }
0xd: {  	[smem:$0x3FAF] =	sst s5  }
0xe: {  	[smem:$0x3FB0] =	sst s6  }
0xf: {  	[smem:$0x3FB1] =	sst s7  }
0x10: {  	[smem:$0x3FB2] =	sst s8  }
0x11: {  	[smem:$0x3FB3] =	sst s9;
	s0 =	simm.s32 @!p0 $0x0  }
0x12: {  	s1 =	sld [smem:$0x3F99];
	s0 =	simm.s32 @p0 $0x1  }
0x13: {  	[smem:$0x3FB4] =	sst s0;
	s0 =	simm.s32 @!p1 $0x0  }
0x14: {  	s2 =	sld [smem:$0x3F98];
	s0 =	simm.s32 @p1 $0x1  }
0x15: {  	[smem:$0x3FB5] =	sst s0;
	s0 =	simm.s32 @!p2 $0x0  }
0x16: {  	s3 =	sld [smem:$0x3FDB];
	s0 =	simm.s32 @p2 $0x1  }
0x17: {  	s4 =	simm.s32 $0x1BF5;
	[smem:$0x3FB7] =	sst s0  }
0x18: {  	s0 =	sld [smem:$0x3F9A];
	_ =	swait.ge [sflag:s4], $0x0  }
0x19: {  	s7 =	sld [smem:$0x3F9B]  }
0x1a: {  	s8 =	sadd.s32 $0xFFFFE003, lr  }
0x1b: {  	s9 =	sadd.s32 $0xFFFFFEF7, lr;
	s5 =	simm.s32 $0xFFFFFFFF;
	p2 =	slt.u32 s8, $0xFFFFF086  }
0x1c: {  	p1 =	slt.u32 s9, $0xF7A;
	s5 =	simm.s32 @!p2 $0x0  }
0x1d: {  	s5 =	simm.s32 @p1 $0x1;
	p0 =	seq.s32 s7, s2  }
0x1e: {  	s7 =	smul.u32 @!p0 $0xF7A, s2;
	p2 =	seq.s32 @!p0 s5, $0x0  }
0x1f: {  	s9 =	smul.u32 $0xF7A, s1;
	s8 =	simm.s32 @!p0 $0x1BF5;
	p2 =	por !p2, p0  }
0x20: {  	[sflag:s8] =	ssyncset.s32 @!p0 $0xFFFFF086;
	s6 =	sadd.s32 @!p0 s3, s7;
	s7 =	simm.s32 @!p0 $0x108  }
0x21: {  	s3 =	sadd.s32 s3, s9;
	s6 =	sadd.s32 @!p0 $0x88, s6;
	s7 =	simm.s32 @p2 $0x1082  }
0x22: {  	[simem:s7], [sflag:s8] =	dma.local @!p0 [hbm:s6], $0xF7A  }
0x23: {  	s9 =	sor.u32 $0xD0000000, s2;
	s6 =	simm.s32 $0x108;
	_ =	swait.ge @!p0 [sflag:s8], $0x0  }
0x24: {  	s3 =	sadd.s32 $0x88, s3;
	s6 =	simm.s32 @!p1 $0x1082;
	[sflag:s4] =	ssyncset.s32 $0xFFFFF086  }
0x25: {  	[simem:s6], [sflag:s4] =	dma.local [hbm:s3], $0xF7A  }
0x26: {  	[smem:$0x3F9B] =	sst s1;
	(tag) =	ssettag s2;
	_ =	strace s9  }
0x27: {  	s1 =	sld [smem:$0x3FAB]  }
0x28: {  	s2 =	sld [smem:$0x3FAC]  }
0x29: {  	s4 =	sld [smem:$0x3FAE]  }
0x2a: {  	p0 =	seq.s32 s5, $0x0;
	s5 =	sld [smem:$0x3FAF]  }
0x2b: {  	s6 =	sld [smem:$0x3FB0]  }
0x2c: {  	s7 =	sld [smem:$0x3FB1]  }
0x2d: {  	s3 =	simm.s32 $0x108;
	s8 =	sld [smem:$0x3FB2]  }
0x2e: {  	s3 =	simm.s32 @!p0 $0x1082;
	s9 =	sld [smem:$0x3FB3]  }
0x2f: {  	lr =	sadd.s32 s0, s3;
	s0 =	sld [smem:$0x3FAA]  }
0x30: {  	s3 =	sld [smem:$0x3FAD]  }
0x31: {  	[smem:$0x3FB6] =	sst s10  }
0x32: {  	s10 =	sld [smem:$0x3FB4];
	_ =	sdelay $0x3  }
0x33: {  	p0 =	seq.s32 s10, $0x1;
	s10 =	sld [smem:$0x3FB6];
	_ =	sdelay $0x3  }
0x34: {  	[smem:$0x3FB6] =	sst s10  }
0x35: {  	s10 =	sld [smem:$0x3FB5];
	_ =	sdelay $0x3  }
0x36: {  	p1 =	seq.s32 s10, $0x1;
	s10 =	sld [smem:$0x3FB6];
	_ =	sdelay $0x3  }
0x37: {  	[smem:$0x3FB6] =	sst s10  }
0x38: {  	s10 =	sld [smem:$0x3FB7]  }
0x39: {  	_ = 	snop;
	(pc) =	sbr.ind lr, $3  }
0x3a: {  	_ = 	snop  }
0x3b: {  	_ = 	snop  }
0x3c: {  	p2 =	seq.s32 s10, $0x1;
	s10 =	sld [smem:$0x3FB6]  }
0x3d: {  	_ =	shalt  }
0x3e: {  	_ =	shalt  }
0x3f: {  	_ =	shalt  }
0x40: {  	_ =	shalt  }
0x41: {  	_ =	shalt  }
0x42: {  	_ =	shalt  }
0x43: {  	_ =	shalt  }
0x44: {  	_ =	shalt  }
0x45: {  	_ =	shalt  }
0x46: {  	_ =	shalt  }
0x47: {  	_ =	shalt  }
0x48: {  	_ =	shalt  }
0x49: {  	_ =	shalt  }
0x4a: {  	_ =	shalt  }
0x4b: {  	_ =	shalt  }
0x4c: {  	_ =	shalt  }
0x4d: {  	_ =	shalt  }
0x4e: {  	_ =	shalt  }
0x4f: {  	_ =	shalt  }
0x50: {  	_ =	shalt  }
0x51: {  	_ =	shalt  }
0x52: {  	_ =	shalt  }
0x53: {  	_ =	shalt  }
0x54: {  	_ =	shalt  }
0x55: {  	_ =	shalt  }
0x56: {  	_ =	shalt  }
0x57: {  	_ =	shalt  }
0x58: {  	_ =	shalt  }
0x59: {  	_ =	shalt  }
0x5a: {  	_ =	shalt  }
0x5b: {  	_ =	shalt  }
0x5c: {  	_ =	shalt  }
0x5d: {  	_ =	shalt  }
0x5e: {  	_ =	shalt  }
0x5f: {  	_ =	shalt  }
0x60: {  	_ =	shalt  }
0x61: {  	_ =	shalt  }
0x62: {  	_ =	shalt  }
0x63: {  	_ =	shalt  }
0x64: {  	_ =	shalt  }
0x65: {  	_ =	shalt  }
0x66: {  	_ =	shalt  }
0x67: {  	_ =	shalt  }
0x68: {  	_ =	shalt  }
0x69: {  	_ =	shalt  }
0x6a: {  	_ =	shalt  }
0x6b: {  	_ =	shalt  }
0x6c: {  	_ =	shalt  }
0x6d: {  	_ =	shalt  }
0x6e: {  	_ =	shalt  }
0x6f: {  	_ =	shalt  }
0x70: {  	_ =	shalt  }
0x71: {  	_ =	shalt  }
0x72: {  	_ =	shalt  }
0x73: {  	_ =	shalt  }
0x74: {  	_ =	shalt  }
0x75: {  	_ =	shalt  }
0x76: {  	_ =	shalt  }
0x77: {  	_ =	shalt  }
0x78: {  	_ =	shalt  }
0x79: {  	_ =	shalt  }
0x7a: {  	_ =	shalt  }
0x7b: {  	_ =	shalt  }
0x7c: {  	_ =	shalt  }
0x7d: {  	_ =	shalt  }
0x7e: {  	_ =	shalt  }
0x7f: {  	_ =	shalt  }
0x80: {  	_ =	shalt  }
0x81: {  	_ =	shalt  }
0x82: {  	_ =	shalt  }
0x83: {  	_ =	shalt  }
0x84: {  	_ =	shalt  }
0x85: {  	_ =	shalt  }
0x86: {  	_ =	shalt  }
0x87: {  	_ =	shalt  }
.Lfunc_end0:
.L_simem_size_0:
called_computation.1_lowered:
.L_overlay_start_0:
0x88: {  	s2 =	sld [smem:$0x3FD9]  }
0x89: {  	s3 =	sld [smem:$0x3FFE];
	_ =	sdelay $0x1  }
0x8a: {  	s1 =	srdreg.scid  }
0x8b: {  	s0 =	sand.u32 $0x1, s1  }
0x8c: {  	s17 =	sshll.u32 s0, $0xA;
	s2 =	sadd.s32 s3, s2  }
0x8d: {  	s2 =	sadd.s32 s2, s17  }
0x8e: {  	[smem:$0x3FC2] =	sst s2  }
0x8f: {  	_ = 	snop  }
0x90: {  	s2 =	sld [smem:$0x3FD0];
	(tm) =	ssettm $0x1  }
0x91: {  	s18 =	sld [smem:$0x3FFB];
	_ =	sdelay $0x3  }
0x92: {  	_ =	strace s18  }
0x93: {  	s3 =	sld [smem:$0x3FFC];
	_ =	sdelay $0x3  }
0x94: {  	_ =	strace s3  }
0x95: {  	s3 =	sld [smem:$0x3FFD];
	_ =	sdelay $0x3  }
0x96: {  	_ =	strace s3  }
0x97: {  	_ =	strace $0x8FFFFFFF  }
0x98: {  	s19 =	sld [smem:$0x3FDB];
	_ =	sdelay $0x1  }
0x99: {  	s4 =	simm.s32 $_scs_section_size  }
0x9a: {  	s5 =	simm.s32 $_size__tile_overlayer_lowered;
	s6 =	simm.s32 $_tile_overlayer_lowered  }
0x9b: {  	s22 =	simm.s32 $0x1BFF;
	s21 =	sshll.u32 s6, $0x1;
	s3 =	sadd.s32 s4, s19  }
0x9c: {  	s7 =	simm.s32 $0x0;
	s20 =	sshll.u32 s5, $0x1;
	s5 =	sadd.s32 s21, s3  }
0x9d: {  	[timem:s7], [sflag:s22] =	dma.local [hbm:s5], s20  }
0x9e: {  	_ =	swait.ge [sflag:s22], s20  }
0x9f: {  	s4 =	ssub.s32 $0x0, s20;
	[sflag:s22] =	ssyncset.done $0x0  }
0xa0: {  	[sflag:s22] =	ssyncadd.s32 s4;
	_ =	sdelay $0x1  }
0xa1: {  	s23 =	simm.s32 $0x1B8B  }
0xa2: {  	_ =	swait.ge [sflag:s23], $0x1  }
0xa3: {  	[sflag:s23] =	ssyncset.done $0x0  }
0xa4: {  	s25 =	simm.s32 $0x1B8E;
	s24 =	sld [smem:$0x3FFE];
	[sflag:s23] =	ssyncadd.s32 $0xFFFFFFFF  }
0xa5: {  	s26 =	simm.s32 $execute0_lowered;
	[smem:$0x3FD2] =	sst s25  }
0xa6: {  	s5 =	sshll.u32 s26, $0x1;
	_ =	strace $0x80000049;
	[dreg:$0x1] =	wrdreg $0xFFFFFFFF  }
0xa7: {  	s28 =	simm.s32 $_size_execute0_lowered;
	s3 =	sadd.s32 s3, s5;
	[dreg:$0x0] =	wrdreg $0x0  }
0xa8: {  	s5 =	sshll.u32 s28, $0x1;
	[dreg:$0x2] =	wrdreg s3  }
0xa9: {  	[dreg:$0x3] =	wrdreg s5  }
0xaa: {  	[dreg:$0x4] =	wrdreg $0xC0  }
0xab: {  	_ =	task [dreg:s7], $0x5FFFF  }
0xac: {  	[dreg:$0x1] =	wrdreg $0xFFFFFFFF  }
0xad: {  	[dreg:$0x0] =	wrdreg $0x60  }
0xae: {  	[dreg:$0x2] =	wrdreg s2  }
0xaf: {  	[dreg:$0x3] =	wrdreg s24  }
0xb0: {  	[dreg:$0x4] =	wrdreg $0xA8000  }
0xb1: {  	[dreg:$0x5] =	wrdreg $0x9  }
0xb2: {  	_ =	task.clear_ibuf [dreg:s7], $0x6FFFF;
	_ =	strace $0x90000049  }
0xb3: {  	s29 =	simm.s32 $0x9;
	_ =	strace $0x8000004B  }
0xb4: {  	_ =	swait.ge [sflag:s29], $0x1  }
0xb5: {  	[sflag:s29] =	ssyncadd.s32 $0xFFFFFFFF  }
0xb6: {  	_ =	strace $0x9000004B  }
0xb7: {  	_ =	sfence  }
0xb8: {  	s30 =	sld [smem:$0x0];
	_ =	sdelay $0x2  }
0xb9: {  	s31 =	sshll.u32 s1, $0xD;
	s1 =	sshrl.u32 s1, $0x2  }
0xba: {  	s3 =	sand.u32 $0x4000, s31;
	s1 =	sadd.s32 s1, s30  }
0xbb: {  	s0 =	sor.u32 s3, s0;
	s1 =	sshll.u32 s1, $0x11  }
0xbc: {  	s0 =	sor.u32 s1, s0  }
0xbd: {  	s0 =	sadd.s32 $0x8F2B, s0  }
0xbe: {  	[sflag:s0] =	ssyncadd.remote.s32 $0x1  }
0xbf: {  	_ =	sfence.sel $0xFFFF  }
0xc0: {  	[dreg:$0x0] =	wrdreg $0xFFFFFFFF;
	(pc) =	sbr.abs _section_cstart, $3  }
0xc1: {  	[dreg:$0x1] =	wrdreg $0xFFFFFFFF  }
0xc2: {  	_ =	task.clear_ibuf [dreg:s7], $0x2FFFF;
	_ =	strace $0x9FFFFFFF  }
0xc3: {  	(tm) =	ssettm $0x7FFFFFFF  }
tec
execute0_lowered:
.L_overlay_start_1:
0x0: {  	(tag) =	ssettag $0x1  }
0x1: {  	s1 =	rddreg [dreg:$0x0]  }
0x2: {  	s0 =	srdreg.scid;
	s7 =	rddreg [dreg:$0x1]  }
0x3: {  	s30 =	stileid.u32;
	s3 =	rddreg [dreg:$0x2]  }
0x4: {  	s4 =	simm.s32 $0x0;
	s17 =	simm.s32 $0x2800;
	s18 =	simm.s32 $0x3  }
0x5: {  	s19 =	simm.s32 $0x1400;
	s20 =	simm.s32 $0x1;
	s21 =	simm.s32 $0x2  }
0x6: {  	s22 =	simm.s32 $0x80;
	s23 =	simm.s32 $0x6800;
	s24 =	simm.s32 $0x1380  }
0x7: {  	s25 =	simm.s32 $0x2700;
	s26 =	simm.s32 $0x2780;
	s9 =	smul.u32 $0x14000, s30  }
0x8: {  	s28 =	simm.s32 $0x0;
	s6 =	sand.u32 $0x1, s0;
	s10 =	smul.u32 $0x50000, s30  }
0x9: {  	[smem:$0x7FF] =	sst s4;
	s2 =	sshll.u32 s6, $0x4;
	s8 =	smul.u32 $0x140000, s6  }
0xa: {  	_ =	strace $0x8000004A;
	s6 =	ssub.s32 $0x2, s6;
	s2 =	sor.u32 s30, s2  }
0xb: {  	s31 =	sshrl.u32 s6, $0x1;
	s10 =	sshrl.u32 s10, $0x2;
	s5 =	smul.u32 $0x2800, s2  }
0xc: {  	s8 =	sadd.s32 s9, s8;
	s16 =	ssub.s32 s6, s31;
	s6 =	sadd.s32 s10, s3  }
0xd: {  	s8 =	sshrl.u32 s8, $0x3;
	s9 =	sadd.s32 $0xC000, s6;
	s10 =	sadd.s32 $0x10000, s6  }
0xe: {  	s16 =	smax.u32 s16, $0x1;
	s5 =	sshrl.u32 s5, $0x3;
	s15 =	sadd.s32 s8, s7  }
0xf: {  	s8 =	sadd.s32 $0x8000, s6;
	s14 =	sadd.s32 s5, s7;
	s5 =	sadd.s32 $0x16600, s7  }
0x10: {  	s7 =	sadd.s32 $0x4000, s6;
	s15 =	sadd.s32 $0x16E00, s15;
	s11 =	sadd.s32 $0x2600, s14  }
0x11: {  	s12 =	sadd.s32 $0xC600, s14;
	s13 =	sadd.s32 $0x2880, s14;
	s14 =	sadd.s32 $0xC880, s14  }
.LBB2_1:
0x12: {  	[tilespmem:s17], [sflag:$0x3] =	stream.linear.gather [hbm4b:s5+s4], $0x4000, $0x38;
	[tilespmem:$0x1E800] =	vst v63  }
0x13: {  	_ =	swait.ge [sflag:s18], $0x4000  }
0x14: {  	[sflag:s18] =	ssyncset.done $0x0  }
0x15: {  	[sflag:s18] =	ssyncadd.s32 $0xFFFFC000  }
0x16: {  	[spmem:s6] =	stream.linear.scatter [tilespmem:s17], [sflag:$0x1], $0x4000, $0x38;
	[tilespmem:$0x1E800] =	vst v63  }
0x17: {  	_ = 	snop  }
0x18: {  	[spmem:s7] =	stream.linear.scatter [tilespmem:s17], [sflag:$0x1], $0x4000, $0x38;
	[tilespmem:$0x1E800] =	vst v63  }
0x19: {  	_ = 	snop  }
0x1a: {  	[spmem:s8] =	stream.linear.scatter [tilespmem:s17], [sflag:$0x1], $0x4000, $0x38;
	[tilespmem:$0x1E800] =	vst v63  }
0x1b: {  	_ = 	snop  }
0x1c: {  	[spmem:s9] =	stream.linear.scatter [tilespmem:s17], [sflag:$0x1], $0x4000, $0x38;
	[tilespmem:$0x1E800] =	vst v63  }
0x1d: {  	_ = 	snop  }
0x1e: {  	[spmem:s10] =	stream.linear.scatter [tilespmem:s17], [sflag:$0x1], $0x4000, $0x38;
	[tilespmem:$0x1E800] =	vst v63  }
0x1f: {  	_ = 	snop  }
0x20: {  	[tilespmem:s4], [sflag:$0x2] =	stream.linear.gather [hbm4b:s11+s4], $0x1400, $0x38;
	[tilespmem:$0x1E800] =	vst v63  }
0x21: {  	_ = 	snop  }
0x22: {  	[tilespmem:s19], [sflag:$0x2] =	stream.linear.gather [hbm4b:s12+s4], $0x1400, $0x38;
	[tilespmem:$0x1E800] =	vst v63  }
0x23: {  	_ =	swait.ge [sflag:s20], $0x4000  }
0x24: {  	[sflag:s20] =	ssyncset.done $0x0  }
0x25: {  	[sflag:s20] =	ssyncadd.s32 $0xFFFFC000  }
0x26: {  	_ =	swait.ge [sflag:s20], $0x4000  }
0x27: {  	[sflag:s20] =	ssyncset.done $0x0  }
0x28: {  	[sflag:s20] =	ssyncadd.s32 $0xFFFFC000  }
0x29: {  	_ =	swait.ge [sflag:s20], $0x4000  }
0x2a: {  	[sflag:s20] =	ssyncset.done $0x0  }
0x2b: {  	[sflag:s20] =	ssyncadd.s32 $0xFFFFC000  }
0x2c: {  	_ =	swait.ge [sflag:s20], $0x4000  }
0x2d: {  	[sflag:s20] =	ssyncset.done $0x0  }
0x2e: {  	[sflag:s20] =	ssyncadd.s32 $0xFFFFC000  }
0x2f: {  	_ =	swait.ge [sflag:s20], $0x4000  }
0x30: {  	[sflag:s20] =	ssyncset.done $0x0  }
0x31: {  	[sflag:s20] =	ssyncadd.s32 $0xFFFFC000  }
0x32: {  	_ =	swait.ge [sflag:s21], $0x1400  }
0x33: {  	[sflag:s21] =	ssyncset.done $0x0  }
0x34: {  	[sflag:s21] =	ssyncadd.s32 $0xFFFFEC00  }
0x35: {  	_ =	swait.ge [sflag:s21], $0x1400  }
0x36: {  	[sflag:s21] =	ssyncset.done $0x0  }
0x37: {  	[sflag:s21] =	ssyncadd.s32 $0xFFFFEC00  }
0x38: {  	[bflag:$0x0] =	sbarrier.arrive $0xFFFF  }
0x39: {  	[tilespmem:s17], [sflag:$0x1] =	stream.indirect.gather [hbm4b:s1+s22], $0x80, s4, s22, $0xb8;
	[tilespmem:$0x1E800] =	vst v63  }
0x3a: {  	s29 =	simm.s32 $0x80  }
0x3b: {  	[tilespmem:s23], [sflag:$0x2] =	stream.indirect.gather [hbm4b:s1+s22], $0x80, s29, s22, $0xb8;
	[tilespmem:$0x1E800] =	vst v63  }
0x3c: {  	_ =	swait.ge [sflag:s20], $0x4000  }
0x3d: {  	[sflag:s20] =	ssyncset.done $0x0  }
0x3e: {  	s29 =	simm.s32 $0x1400;
	[sflag:s20] =	ssyncadd.s32 $0xFFFFC000  }
0x3f: {  	[spmem:s3] =	stream.indirect.scatter.add.f32 [tilespmem:s17], [sflag:$0x3], $0x80, s29, s22, $0xb8;
	[tilespmem:$0x1E800] =	vst v63  }
0x40: {  	_ =	swait.ge [sflag:s18], $0x4000  }
0x41: {  	[sflag:s18] =	ssyncset.done $0x0  }
0x42: {  	s29 =	simm.s32 $0x100;
	[sflag:s18] =	ssyncadd.s32 $0xFFFFC000  }
0x43: {  	[tilespmem:s17], [sflag:$0x1] =	stream.indirect.gather [hbm4b:s1+s22], $0x80, s29, s22, $0xb8;
	[tilespmem:$0x1E800] =	vst v63  }
0x44: {  	_ =	swait.ge [sflag:s21], $0x4000  }
0x45: {  	[sflag:s21] =	ssyncset.done $0x0  }
0x46: {  	s29 =	simm.s32 $0x1480;
	[sflag:s21] =	ssyncadd.s32 $0xFFFFC000  }
0x47: {  	[spmem:s3] =	stream.indirect.scatter.add.f32 [tilespmem:s23], [sflag:$0x3], $0x80, s29, s22, $0xb8;
	[tilespmem:$0x1E800] =	vst v63  }
0x48: {  	_ =	swait.ge [sflag:s18], $0x4000  }
0x49: {  	s30 =	simm.s32 $0x800;
	s29 =	simm.s32 $0x100;
	[sflag:s18] =	ssyncset.done $0x0  }
.LBB2_2:
0x4a: {  	s31 =	sadd.s32 $0x80, s29  }
0x4b: {  	[sflag:s18] =	ssyncadd.s32 $0xFFFFC000;
	s2 =	smov.u32 s30;
	s0 =	sadd.s32 $0x400, s30  }
0x4c: {  	[tilespmem:s23], [sflag:$0x2] =	stream.indirect.gather [hbm4b:s1+s22], $0x80, s31, s22, $0xb8;
	[tilespmem:$0x1E800] =	vst v63  }
0x4d: {  	p0 =	sne.s32 s30, $0x4800;
	_ =	swait.ge [sflag:s20], $0x4000  }
0x4e: {  	[sflag:s20] =	ssyncset.done $0x0  }
0x4f: {  	s30 =	sadd.s32 $0x1400, s29;
	[sflag:s20] =	ssyncadd.s32 $0xFFFFC000  }
0x50: {  	[spmem:s3] =	stream.indirect.scatter.add.f32 [tilespmem:s17], [sflag:$0x3], $0x80, s30, s22, $0xb8;
	[tilespmem:$0x1E800] =	vst v63  }
0x51: {  	_ =	swait.ge [sflag:s18], $0x4000  }
0x52: {  	[sflag:s18] =	ssyncset.done $0x0  }
0x53: {  	s30 =	sadd.s32 $0x100, s29;
	[sflag:s18] =	ssyncadd.s32 $0xFFFFC000  }
0x54: {  	[tilespmem:s17], [sflag:$0x1] =	stream.indirect.gather [hbm4b:s1+s22], $0x80, s30, s22, $0xb8;
	[tilespmem:$0x1E800] =	vst v63  }
0x55: {  	_ =	swait.ge [sflag:s21], $0x4000  }
.Ltmp0:
0x56: {  	[sflag:s21] =	ssyncset.done $0x0;
	(pc) =	sbr.rel @p0 .LBB2_2-.Ltmp0, $4  }
0x57: {  	s29 =	sadd.s32 $0x1480, s29;
	[sflag:s21] =	ssyncadd.s32 $0xFFFFC000  }
0x58: {  	[spmem:s3] =	stream.indirect.scatter.add.f32 [tilespmem:s23], [sflag:$0x3], $0x80, s29, s22, $0xb8;
	[tilespmem:$0x1E800] =	vst v63  }
0x59: {  	_ =	swait.ge [sflag:s18], $0x4000  }
0x5a: {  	s30 =	smov.u32 s0;
	s29 =	sshra.s32 s2, $0x2;
	[sflag:s18] =	ssyncset.done $0x0  }
0x5b: {  	s0 =	sadd.s32 $0x80, s29;
	[sflag:s18] =	ssyncadd.s32 $0xFFFFC000  }
0x5c: {  	[tilespmem:s23], [sflag:$0x2] =	stream.indirect.gather [hbm4b:s1+s22], $0x80, s0, s22, $0xb8;
	[tilespmem:$0x1E800] =	vst v63  }
0x5d: {  	_ =	swait.ge [sflag:s20], $0x4000  }
0x5e: {  	[sflag:s20] =	ssyncset.done $0x0  }
0x5f: {  	s2 =	sadd.s32 $0x1400, s29;
	[sflag:s20] =	ssyncadd.s32 $0xFFFFC000  }
0x60: {  	[spmem:s3] =	stream.indirect.scatter.add.f32 [tilespmem:s17], [sflag:$0x3], $0x80, s2, s22, $0xb8;
	[tilespmem:$0x1E800] =	vst v63  }
0x61: {  	_ =	swait.ge [sflag:s18], $0x4000  }
0x62: {  	[sflag:s18] =	ssyncset.done $0x0  }
0x63: {  	s31 =	sadd.s32 $0x100, s29;
	[sflag:s18] =	ssyncadd.s32 $0xFFFFC000  }
0x64: {  	[tilespmem:s17], [sflag:$0x1] =	stream.indirect.gather [hbm4b:s1+s22], $0x80, s31, s22, $0xb8;
	[tilespmem:$0x1E800] =	vst v63  }
0x65: {  	_ =	swait.ge [sflag:s21], $0x4000  }
0x66: {  	[sflag:s21] =	ssyncset.done $0x0  }
0x67: {  	s2 =	sadd.s32 $0x1480, s29;
	[sflag:s21] =	ssyncadd.s32 $0xFFFFC000  }
0x68: {  	[spmem:s3] =	stream.indirect.scatter.add.f32 [tilespmem:s23], [sflag:$0x3], $0x80, s2, s22, $0xb8;
	[tilespmem:$0x1E800] =	vst v63  }
0x69: {  	_ =	swait.ge [sflag:s18], $0x4000  }
0x6a: {  	[sflag:s18] =	ssyncset.done $0x0  }
0x6b: {  	[sflag:s18] =	ssyncadd.s32 $0xFFFFC000  }
0x6c: {  	[tilespmem:s23], [sflag:$0x2] =	stream.indirect.gather [hbm4b:s1+s22], $0x80, s24, s22, $0xb8;
	[tilespmem:$0x1E800] =	vst v63  }
0x6d: {  	_ =	swait.ge [sflag:s20], $0x4000  }
0x6e: {  	[sflag:s20] =	ssyncset.done $0x0  }
0x6f: {  	[sflag:s20] =	ssyncadd.s32 $0xFFFFC000  }
0x70: {  	[spmem:s3] =	stream.indirect.scatter.add.f32 [tilespmem:s17], [sflag:$0x3], $0x80, s25, s22, $0xb8;
	[tilespmem:$0x1E800] =	vst v63  }
0x71: {  	_ =	swait.ge [sflag:s18], $0x4000  }
0x72: {  	[sflag:s18] =	ssyncset.done $0x0  }
0x73: {  	[sflag:s18] =	ssyncadd.s32 $0xFFFFC000  }
0x74: {  	_ =	swait.ge [sflag:s21], $0x4000  }
0x75: {  	[sflag:s21] =	ssyncset.done $0x0  }
0x76: {  	[sflag:s21] =	ssyncadd.s32 $0xFFFFC000  }
0x77: {  	[spmem:s3] =	stream.indirect.scatter.add.f32 [tilespmem:s23], [sflag:$0x3], $0x80, s26, s22, $0xb8;
	[tilespmem:$0x1E800] =	vst v63  }
0x78: {  	_ =	swait.ge [sflag:s18], $0x4000  }
0x79: {  	[sflag:s18] =	ssyncset.done $0x0  }
0x7a: {  	s31 =	simm.s32 $0x0;
	[sflag:s18] =	ssyncadd.s32 $0xFFFFC000  }
0x7b: {  	[tilespmem:s31], [sflag:$0x3] =	stream.linear.gather [hbm4b:s13+s31], $0x1400, $0x38;
	[tilespmem:$0x1E800] =	vst v63  }
0x7c: {  	_ =	swait.ge [sflag:s18], $0x1400  }
0x7d: {  	[sflag:s18] =	ssyncset.done $0x0  }
0x7e: {  	[sflag:s18] =	ssyncadd.s32 $0xFFFFEC00  }
0x7f: {  	[tilespmem:s19], [sflag:$0x3] =	stream.linear.gather [hbm4b:s14+s31], $0x1400, $0x38;
	[tilespmem:$0x1E800] =	vst v63  }
0x80: {  	_ =	swait.ge [sflag:s18], $0x1400  }
0x81: {  	[sflag:s18] =	ssyncset.done $0x0  }
0x82: {  	[sflag:s18] =	ssyncadd.s32 $0xFFFFEC00  }
0x83: {  	[tilespmem:s17], [sflag:$0x1] =	stream.indirect.gather [hbm4b:s1+s22], $0x80, s31, s22, $0xb8;
	[tilespmem:$0x1E800] =	vst v63  }
0x84: {  	s2 =	simm.s32 $0x80  }
0x85: {  	[tilespmem:s23], [sflag:$0x2] =	stream.indirect.gather [hbm4b:s1+s22], $0x80, s2, s22, $0xb8;
	[tilespmem:$0x1E800] =	vst v63  }
0x86: {  	_ =	swait.ge [sflag:s20], $0x4000  }
0x87: {  	[sflag:s20] =	ssyncset.done $0x0  }
0x88: {  	s31 =	simm.s32 $0x1400;
	[sflag:s20] =	ssyncadd.s32 $0xFFFFC000  }
0x89: {  	[spmem:s3] =	stream.indirect.scatter.add.f32 [tilespmem:s17], [sflag:$0x3], $0x80, s31, s22, $0xb8;
	[tilespmem:$0x1E800] =	vst v63  }
0x8a: {  	_ =	swait.ge [sflag:s18], $0x4000  }
0x8b: {  	[sflag:s18] =	ssyncset.done $0x0  }
0x8c: {  	s2 =	simm.s32 $0x100;
	[sflag:s18] =	ssyncadd.s32 $0xFFFFC000  }
0x8d: {  	[tilespmem:s17], [sflag:$0x1] =	stream.indirect.gather [hbm4b:s1+s22], $0x80, s2, s22, $0xb8;
	[tilespmem:$0x1E800] =	vst v63  }
0x8e: {  	_ =	swait.ge [sflag:s21], $0x4000  }
0x8f: {  	[sflag:s21] =	ssyncset.done $0x0  }
0x90: {  	s31 =	simm.s32 $0x1480;
	[sflag:s21] =	ssyncadd.s32 $0xFFFFC000  }
0x91: {  	[spmem:s3] =	stream.indirect.scatter.add.f32 [tilespmem:s23], [sflag:$0x3], $0x80, s31, s22, $0xb8;
	[tilespmem:$0x1E800] =	vst v63  }
0x92: {  	_ =	swait.ge [sflag:s18], $0x4000  }
0x93: {  	s30 =	simm.s32 $0x800;
	s29 =	simm.s32 $0x100;
	[sflag:s18] =	ssyncset.done $0x0  }
.LBB2_4:
0x94: {  	s0 =	sadd.s32 $0x80, s29  }
0x95: {  	[sflag:s18] =	ssyncadd.s32 $0xFFFFC000;
	s2 =	smov.u32 s30;
	s31 =	sadd.s32 $0x400, s30  }
0x96: {  	[tilespmem:s23], [sflag:$0x2] =	stream.indirect.gather [hbm4b:s1+s22], $0x80, s0, s22, $0xb8;
	[tilespmem:$0x1E800] =	vst v63  }
0x97: {  	p0 =	sne.s32 s30, $0x4800;
	_ =	swait.ge [sflag:s20], $0x4000  }
0x98: {  	[sflag:s20] =	ssyncset.done $0x0  }
0x99: {  	s0 =	sadd.s32 $0x1400, s29;
	[sflag:s20] =	ssyncadd.s32 $0xFFFFC000  }
0x9a: {  	[spmem:s3] =	stream.indirect.scatter.add.f32 [tilespmem:s17], [sflag:$0x3], $0x80, s0, s22, $0xb8;
	[tilespmem:$0x1E800] =	vst v63  }
0x9b: {  	_ =	swait.ge [sflag:s18], $0x4000  }
0x9c: {  	[sflag:s18] =	ssyncset.done $0x0  }
0x9d: {  	s0 =	sadd.s32 $0x100, s29;
	[sflag:s18] =	ssyncadd.s32 $0xFFFFC000  }
0x9e: {  	[tilespmem:s17], [sflag:$0x1] =	stream.indirect.gather [hbm4b:s1+s22], $0x80, s0, s22, $0xb8;
	[tilespmem:$0x1E800] =	vst v63  }
0x9f: {  	_ =	swait.ge [sflag:s21], $0x4000  }
.Ltmp1:
0xa0: {  	[sflag:s21] =	ssyncset.done $0x0;
	(pc) =	sbr.rel @p0 .LBB2_4-.Ltmp1, $4  }
0xa1: {  	s0 =	sadd.s32 $0x1480, s29;
	[sflag:s21] =	ssyncadd.s32 $0xFFFFC000  }
0xa2: {  	[spmem:s3] =	stream.indirect.scatter.add.f32 [tilespmem:s23], [sflag:$0x3], $0x80, s0, s22, $0xb8;
	[tilespmem:$0x1E800] =	vst v63  }
0xa3: {  	_ =	swait.ge [sflag:s18], $0x4000  }
0xa4: {  	s30 =	smov.u32 s31;
	s29 =	sshra.s32 s2, $0x2;
	[sflag:s18] =	ssyncset.done $0x0  }
0xa5: {  	s0 =	sadd.s32 $0x80, s29;
	[sflag:s18] =	ssyncadd.s32 $0xFFFFC000  }
0xa6: {  	[tilespmem:s23], [sflag:$0x2] =	stream.indirect.gather [hbm4b:s1+s22], $0x80, s0, s22, $0xb8;
	[tilespmem:$0x1E800] =	vst v63  }
0xa7: {  	_ =	swait.ge [sflag:s20], $0x4000  }
0xa8: {  	[sflag:s20] =	ssyncset.done $0x0  }
0xa9: {  	s31 =	sadd.s32 $0x1400, s29;
	[sflag:s20] =	ssyncadd.s32 $0xFFFFC000  }
0xaa: {  	[spmem:s3] =	stream.indirect.scatter.add.f32 [tilespmem:s17], [sflag:$0x3], $0x80, s31, s22, $0xb8;
	[tilespmem:$0x1E800] =	vst v63  }
0xab: {  	_ =	swait.ge [sflag:s18], $0x4000  }
0xac: {  	[sflag:s18] =	ssyncset.done $0x0  }
0xad: {  	s2 =	sadd.s32 $0x100, s29;
	[sflag:s18] =	ssyncadd.s32 $0xFFFFC000  }
0xae: {  	[tilespmem:s17], [sflag:$0x1] =	stream.indirect.gather [hbm4b:s1+s22], $0x80, s2, s22, $0xb8;
	[tilespmem:$0x1E800] =	vst v63  }
0xaf: {  	_ =	swait.ge [sflag:s21], $0x4000  }
0xb0: {  	[sflag:s21] =	ssyncset.done $0x0  }
0xb1: {  	s30 =	sadd.s32 $0x1480, s29;
	[sflag:s21] =	ssyncadd.s32 $0xFFFFC000  }
0xb2: {  	[spmem:s3] =	stream.indirect.scatter.add.f32 [tilespmem:s23], [sflag:$0x3], $0x80, s30, s22, $0xb8;
	[tilespmem:$0x1E800] =	vst v63  }
0xb3: {  	_ =	swait.ge [sflag:s18], $0x4000  }
0xb4: {  	[sflag:s18] =	ssyncset.done $0x0  }
0xb5: {  	[sflag:s18] =	ssyncadd.s32 $0xFFFFC000  }
0xb6: {  	[tilespmem:s23], [sflag:$0x2] =	stream.indirect.gather [hbm4b:s1+s22], $0x80, s24, s22, $0xb8;
	[tilespmem:$0x1E800] =	vst v63  }
0xb7: {  	_ =	swait.ge [sflag:s20], $0x4000  }
0xb8: {  	[sflag:s20] =	ssyncset.done $0x0  }
0xb9: {  	[sflag:s20] =	ssyncadd.s32 $0xFFFFC000  }
0xba: {  	[spmem:s3] =	stream.indirect.scatter.add.f32 [tilespmem:s17], [sflag:$0x3], $0x80, s25, s22, $0xb8;
	[tilespmem:$0x1E800] =	vst v63  }
0xbb: {  	_ =	swait.ge [sflag:s18], $0x4000  }
0xbc: {  	[sflag:s18] =	ssyncset.done $0x0  }
0xbd: {  	[sflag:s18] =	ssyncadd.s32 $0xFFFFC000  }
0xbe: {  	_ =	swait.ge [sflag:s21], $0x4000  }
0xbf: {  	[sflag:s21] =	ssyncset.done $0x0  }
0xc0: {  	[sflag:s21] =	ssyncadd.s32 $0xFFFFC000  }
0xc1: {  	[spmem:s3] =	stream.indirect.scatter.add.f32 [tilespmem:s23], [sflag:$0x3], $0x80, s26, s22, $0xb8;
	[tilespmem:$0x1E800] =	vst v63  }
0xc2: {  	s31 =	stileid.u32;
	_ =	swait.ge [sflag:s18], $0x4000  }
0xc3: {  	s28 =	sadd.s32 $0x1, s28;
	s0 =	sshll.u32 s31, $0x6;
	[sflag:s18] =	ssyncset.done $0x0  }
0xc4: {  	p0 =	sne.s32 s28, s16;
	s0 =	sor.u32 $0x1C03, s0;
	[sflag:s18] =	ssyncadd.s32 $0xFFFFC000  }
.Ltmp2:
0xc5: {  	s2 =	sshrl.u32 s6, $0x3;
	[bflag:$0x0] =	sbarrier.arrive $0xFFFF;
	(pc) =	sbr.rel @p0 .LBB2_1-.Ltmp2, $4  }
0xc6: {  	[hbm:s15], [sflag:s0] =	dma.local [spmem:s2], $0x2800  }
0xc7: {  	_ =	swait.ge [sflag:s18], $0x2800  }
0xc8: {  	[sflag:s18] =	ssyncset.done $0x0  }
0xc9: {  	[sflag:s18] =	ssyncadd.s32 $0xFFFFD800  }
0xca: {  	_ =	sfence.sel $0x180000  }
0xcb: {  	[bflag:$0x0] =	sbarrier.arrive $0xFFFF  }
0xcc: {  	_ =	strace $0x9000004A  }
0xcd: {  	s0 =	stileid.u32;
	[bflag:$0x2] =	sbarrier.arrive $0xFFFF  }
0xce: {  	p0 =	sne.s32 s0, $0x0;
	s0 =	rddreg [dreg:$0x3]  }
0xcf: {  	s0 =	sadd.s32 @!p0 $0x100000, s0  }
0xd0: {  	[sflag:s0] =	ssyncadd.tile.s32 @!p0 $0x1;
	_ =	shalt  }
.Lfunc_end2:
_tile_overlayer_lowered:
.L_overlay_start_2:
0xd1: {  	(tag) =	ssettag $0x2  }
0xd2: {  	s0 =	rddreg [dreg:$0x0];
	s2 =	stileid.u32  }
0xd3: {  	s1 =	rddreg [dreg:$0x1];
	p0 =	sne.s32 s2, $0x0  }
0xd4: {  	s3 =	rddreg [dreg:$0x2];
	[bflag:$0x3] =	sbarrier.arrive $0xFFFF;
	s2 =	simm.s32 @!p0 $0x1C03  }
0xd5: {  	[timem:s3], [sflag:s2] =	dma.local @!p0 [hbm:s0], s1  }
0xd6: {  	s0 =	simm.s32 @!p0 $0x3  }
0xd7: {  	_ =	swait.ge @!p0 [sflag:s0], s1  }
0xd8: {  	s1 =	ssub.s32 @!p0 $0x0, s1;
	[sflag:s0] =	ssyncset.done @!p0 $0x0  }
0xd9: {  	[sflag:s0] =	ssyncadd.s32 @!p0 s1  }
0xda: {  	[bflag:$0x3] =	sbarrier.arrive $0xFFFF  }
0xdb: {  	_ =	shalt  }

// kernel: kernel.15.cloned.1.call-start
scs
__scs_entry_jumppad:
0x0: {  	(pc) =	sbr.rel $0x88, $3  }
0x1: {  	(tag) =	ssettag $0x0;
	lr =	simm.s32 $0x1  }
0x2: {  	[smem:$0x3F9B] =	sst lr;
	_ =	strace $0xD0000000  }
0x3: {  	_ = 	snop  }
0x4: {  	_ = 	snop  }
0x5: {  	_ = 	snop  }
0x6: {  	_ = 	snop  }
0x7: {  	_ = 	snop  }
__scs_overlays_trampoline_lowered:
0x8: {  	[smem:$0x3FAA] =	sst s0  }
0x9: {  	[smem:$0x3FAB] =	sst s1  }
0xa: {  	[smem:$0x3FAC] =	sst s2  }
0xb: {  	[smem:$0x3FAD] =	sst s3  }
0xc: {  	[smem:$0x3FAE] =	sst s4  }
0xd: {  	[smem:$0x3FAF] =	sst s5  }
0xe: {  	[smem:$0x3FB0] =	sst s6  }
0xf: {  	[smem:$0x3FB1] =	sst s7  }
0x10: {  	[smem:$0x3FB2] =	sst s8  }
0x11: {  	[smem:$0x3FB3] =	sst s9;
	s0 =	simm.s32 @!p0 $0x0  }
0x12: {  	s1 =	sld [smem:$0x3F99];
	s0 =	simm.s32 @p0 $0x1  }
0x13: {  	[smem:$0x3FB4] =	sst s0;
	s0 =	simm.s32 @!p1 $0x0  }
0x14: {  	s2 =	sld [smem:$0x3F98];
	s0 =	simm.s32 @p1 $0x1  }
0x15: {  	[smem:$0x3FB5] =	sst s0;
	s0 =	simm.s32 @!p2 $0x0  }
0x16: {  	s3 =	sld [smem:$0x3FDB];
	s0 =	simm.s32 @p2 $0x1  }
0x17: {  	s4 =	simm.s32 $0x1BF5;
	[smem:$0x3FB7] =	sst s0  }
0x18: {  	s0 =	sld [smem:$0x3F9A];
	_ =	swait.ge [sflag:s4], $0x0  }
0x19: {  	s7 =	sld [smem:$0x3F9B]  }
0x1a: {  	s8 =	sadd.s32 $0xFFFFE003, lr  }
0x1b: {  	s9 =	sadd.s32 $0xFFFFFEF7, lr;
	s5 =	simm.s32 $0xFFFFFFFF;
	p2 =	slt.u32 s8, $0xFFFFF086  }
0x1c: {  	p1 =	slt.u32 s9, $0xF7A;
	s5 =	simm.s32 @!p2 $0x0  }
0x1d: {  	s5 =	simm.s32 @p1 $0x1;
	p0 =	seq.s32 s7, s2  }
0x1e: {  	s7 =	smul.u32 @!p0 $0xF7A, s2;
	p2 =	seq.s32 @!p0 s5, $0x0  }
0x1f: {  	s9 =	smul.u32 $0xF7A, s1;
	s8 =	simm.s32 @!p0 $0x1BF5;
	p2 =	por !p2, p0  }
0x20: {  	[sflag:s8] =	ssyncset.s32 @!p0 $0xFFFFF086;
	s6 =	sadd.s32 @!p0 s3, s7;
	s7 =	simm.s32 @!p0 $0x108  }
0x21: {  	s3 =	sadd.s32 s3, s9;
	s6 =	sadd.s32 @!p0 $0x88, s6;
	s7 =	simm.s32 @p2 $0x1082  }
0x22: {  	[simem:s7], [sflag:s8] =	dma.local @!p0 [hbm:s6], $0xF7A  }
0x23: {  	s9 =	sor.u32 $0xD0000000, s2;
	s6 =	simm.s32 $0x108;
	_ =	swait.ge @!p0 [sflag:s8], $0x0  }
0x24: {  	s3 =	sadd.s32 $0x88, s3;
	s6 =	simm.s32 @!p1 $0x1082;
	[sflag:s4] =	ssyncset.s32 $0xFFFFF086  }
0x25: {  	[simem:s6], [sflag:s4] =	dma.local [hbm:s3], $0xF7A  }
0x26: {  	[smem:$0x3F9B] =	sst s1;
	(tag) =	ssettag s2;
	_ =	strace s9  }
0x27: {  	s1 =	sld [smem:$0x3FAB]  }
0x28: {  	s2 =	sld [smem:$0x3FAC]  }
0x29: {  	s4 =	sld [smem:$0x3FAE]  }
0x2a: {  	p0 =	seq.s32 s5, $0x0;
	s5 =	sld [smem:$0x3FAF]  }
0x2b: {  	s6 =	sld [smem:$0x3FB0]  }
0x2c: {  	s7 =	sld [smem:$0x3FB1]  }
0x2d: {  	s3 =	simm.s32 $0x108;
	s8 =	sld [smem:$0x3FB2]  }
0x2e: {  	s3 =	simm.s32 @!p0 $0x1082;
	s9 =	sld [smem:$0x3FB3]  }
0x2f: {  	lr =	sadd.s32 s0, s3;
	s0 =	sld [smem:$0x3FAA]  }
0x30: {  	s3 =	sld [smem:$0x3FAD]  }
0x31: {  	[smem:$0x3FB6] =	sst s10  }
0x32: {  	s10 =	sld [smem:$0x3FB4];
	_ =	sdelay $0x3  }
0x33: {  	p0 =	seq.s32 s10, $0x1;
	s10 =	sld [smem:$0x3FB6];
	_ =	sdelay $0x3  }
0x34: {  	[smem:$0x3FB6] =	sst s10  }
0x35: {  	s10 =	sld [smem:$0x3FB5];
	_ =	sdelay $0x3  }
0x36: {  	p1 =	seq.s32 s10, $0x1;
	s10 =	sld [smem:$0x3FB6];
	_ =	sdelay $0x3  }
0x37: {  	[smem:$0x3FB6] =	sst s10  }
0x38: {  	s10 =	sld [smem:$0x3FB7]  }
0x39: {  	_ = 	snop;
	(pc) =	sbr.ind lr, $3  }
0x3a: {  	_ = 	snop  }
0x3b: {  	_ = 	snop  }
0x3c: {  	p2 =	seq.s32 s10, $0x1;
	s10 =	sld [smem:$0x3FB6]  }
0x3d: {  	_ =	shalt  }
0x3e: {  	_ =	shalt  }
0x3f: {  	_ =	shalt  }
0x40: {  	_ =	shalt  }
0x41: {  	_ =	shalt  }
0x42: {  	_ =	shalt  }
0x43: {  	_ =	shalt  }
0x44: {  	_ =	shalt  }
0x45: {  	_ =	shalt  }
0x46: {  	_ =	shalt  }
0x47: {  	_ =	shalt  }
0x48: {  	_ =	shalt  }
0x49: {  	_ =	shalt  }
0x4a: {  	_ =	shalt  }
0x4b: {  	_ =	shalt  }
0x4c: {  	_ =	shalt  }
0x4d: {  	_ =	shalt  }
0x4e: {  	_ =	shalt  }
0x4f: {  	_ =	shalt  }
0x50: {  	_ =	shalt  }
0x51: {  	_ =	shalt  }
0x52: {  	_ =	shalt  }
0x53: {  	_ =	shalt  }
0x54: {  	_ =	shalt  }
0x55: {  	_ =	shalt  }
0x56: {  	_ =	shalt  }
0x57: {  	_ =	shalt  }
0x58: {  	_ =	shalt  }
0x59: {  	_ =	shalt  }
0x5a: {  	_ =	shalt  }
0x5b: {  	_ =	shalt  }
0x5c: {  	_ =	shalt  }
0x5d: {  	_ =	shalt  }
0x5e: {  	_ =	shalt  }
0x5f: {  	_ =	shalt  }
0x60: {  	_ =	shalt  }
0x61: {  	_ =	shalt  }
0x62: {  	_ =	shalt  }
0x63: {  	_ =	shalt  }
0x64: {  	_ =	shalt  }
0x65: {  	_ =	shalt  }
0x66: {  	_ =	shalt  }
0x67: {  	_ =	shalt  }
0x68: {  	_ =	shalt  }
0x69: {  	_ =	shalt  }
0x6a: {  	_ =	shalt  }
0x6b: {  	_ =	shalt  }
0x6c: {  	_ =	shalt  }
0x6d: {  	_ =	shalt  }
0x6e: {  	_ =	shalt  }
0x6f: {  	_ =	shalt  }
0x70: {  	_ =	shalt  }
0x71: {  	_ =	shalt  }
0x72: {  	_ =	shalt  }
0x73: {  	_ =	shalt  }
0x74: {  	_ =	shalt  }
0x75: {  	_ =	shalt  }
0x76: {  	_ =	shalt  }
0x77: {  	_ =	shalt  }
0x78: {  	_ =	shalt  }
0x79: {  	_ =	shalt  }
0x7a: {  	_ =	shalt  }
0x7b: {  	_ =	shalt  }
0x7c: {  	_ =	shalt  }
0x7d: {  	_ =	shalt  }
0x7e: {  	_ =	shalt  }
0x7f: {  	_ =	shalt  }
0x80: {  	_ =	shalt  }
0x81: {  	_ =	shalt  }
0x82: {  	_ =	shalt  }
0x83: {  	_ =	shalt  }
0x84: {  	_ =	shalt  }
0x85: {  	_ =	shalt  }
0x86: {  	_ =	shalt  }
0x87: {  	_ =	shalt  }
.Lfunc_end0:
.L_simem_size_0:
called_computation.2_lowered:
.L_overlay_start_0:
0x88: {  	s2 =	sld [smem:$0x3FD9]  }
0x89: {  	s3 =	sld [smem:$0x3FFE];
	_ =	sdelay $0x1  }
0x8a: {  	s1 =	srdreg.scid  }
0x8b: {  	s0 =	sand.u32 $0x1, s1  }
0x8c: {  	s17 =	sshll.u32 s0, $0xA;
	s2 =	sadd.s32 s3, s2  }
0x8d: {  	s2 =	sadd.s32 s2, s17  }
0x8e: {  	[smem:$0x3FC2] =	sst s2  }
0x8f: {  	_ = 	snop  }
0x90: {  	s2 =	sld [smem:$0x3FD0];
	(tm) =	ssettm $0x1  }
0x91: {  	s18 =	sld [smem:$0x3FFB];
	_ =	sdelay $0x3  }
0x92: {  	_ =	strace s18  }
0x93: {  	s3 =	sld [smem:$0x3FFC];
	_ =	sdelay $0x3  }
0x94: {  	_ =	strace s3  }
0x95: {  	s3 =	sld [smem:$0x3FFD];
	_ =	sdelay $0x3  }
0x96: {  	_ =	strace s3  }
0x97: {  	_ =	strace $0x8FFFFFFF  }
0x98: {  	s19 =	sld [smem:$0x3FDB];
	_ =	sdelay $0x1  }
0x99: {  	s4 =	simm.s32 $_scs_section_size  }
0x9a: {  	s5 =	simm.s32 $_size__tile_overlayer_lowered;
	s6 =	simm.s32 $_tile_overlayer_lowered  }
0x9b: {  	s22 =	simm.s32 $0x1BFF;
	s21 =	sshll.u32 s6, $0x1;
	s3 =	sadd.s32 s4, s19  }
0x9c: {  	s7 =	simm.s32 $0x0;
	s20 =	sshll.u32 s5, $0x1;
	s5 =	sadd.s32 s21, s3  }
0x9d: {  	[timem:s7], [sflag:s22] =	dma.local [hbm:s5], s20  }
0x9e: {  	_ =	swait.ge [sflag:s22], s20  }
0x9f: {  	s4 =	ssub.s32 $0x0, s20;
	[sflag:s22] =	ssyncset.done $0x0  }
0xa0: {  	[sflag:s22] =	ssyncadd.s32 s4;
	_ =	sdelay $0x1  }
0xa1: {  	s23 =	simm.s32 $0x1B8B  }
0xa2: {  	_ =	swait.ge [sflag:s23], $0x1  }
0xa3: {  	[sflag:s23] =	ssyncset.done $0x0  }
0xa4: {  	s25 =	simm.s32 $0x1B8E;
	s24 =	sld [smem:$0x3FFE];
	[sflag:s23] =	ssyncadd.s32 $0xFFFFFFFF  }
0xa5: {  	s26 =	simm.s32 $execute0_lowered;
	[smem:$0x3FD2] =	sst s25  }
0xa6: {  	s5 =	sshll.u32 s26, $0x1;
	_ =	strace $0x8000004C;
	[dreg:$0x1] =	wrdreg $0xFFFFFFFF  }
0xa7: {  	s28 =	simm.s32 $_size_execute0_lowered;
	s3 =	sadd.s32 s3, s5;
	[dreg:$0x0] =	wrdreg $0x0  }
0xa8: {  	s5 =	sshll.u32 s28, $0x1;
	[dreg:$0x2] =	wrdreg s3  }
0xa9: {  	[dreg:$0x3] =	wrdreg s5  }
0xaa: {  	[dreg:$0x4] =	wrdreg $0xC0  }
0xab: {  	_ =	task [dreg:s7], $0x5FFFF  }
0xac: {  	[dreg:$0x1] =	wrdreg $0xFFFFFFFF  }
0xad: {  	[dreg:$0x0] =	wrdreg $0x60  }
0xae: {  	[dreg:$0x2] =	wrdreg s2  }
0xaf: {  	[dreg:$0x3] =	wrdreg s24  }
0xb0: {  	[dreg:$0x4] =	wrdreg $0xA8000  }
0xb1: {  	[dreg:$0x5] =	wrdreg $0x9  }
0xb2: {  	_ =	task.clear_ibuf [dreg:s7], $0x6FFFF;
	_ =	strace $0x9000004C  }
0xb3: {  	s29 =	simm.s32 $0x9;
	_ =	strace $0x8000004E  }
0xb4: {  	_ =	swait.ge [sflag:s29], $0x1  }
0xb5: {  	[sflag:s29] =	ssyncadd.s32 $0xFFFFFFFF  }
0xb6: {  	_ =	strace $0x9000004E  }
0xb7: {  	_ =	sfence  }
0xb8: {  	s30 =	sld [smem:$0x0];
	_ =	sdelay $0x2  }
0xb9: {  	s31 =	sshll.u32 s1, $0xD;
	s1 =	sshrl.u32 s1, $0x2  }
0xba: {  	s3 =	sand.u32 $0x4000, s31;
	s1 =	sadd.s32 s1, s30  }
0xbb: {  	s0 =	sor.u32 s3, s0;
	s1 =	sshll.u32 s1, $0x11  }
0xbc: {  	s0 =	sor.u32 s1, s0  }
0xbd: {  	s0 =	sadd.s32 $0x8F2B, s0  }
0xbe: {  	[sflag:s0] =	ssyncadd.remote.s32 $0x1  }
0xbf: {  	_ =	sfence.sel $0xFFFF  }
0xc0: {  	[dreg:$0x0] =	wrdreg $0xFFFFFFFF;
	(pc) =	sbr.abs _section_cstart, $3  }
0xc1: {  	[dreg:$0x1] =	wrdreg $0xFFFFFFFF  }
0xc2: {  	_ =	task.clear_ibuf [dreg:s7], $0x2FFFF;
	_ =	strace $0x9FFFFFFF  }
0xc3: {  	(tm) =	ssettm $0x7FFFFFFF  }
tec
execute0_lowered:
.L_overlay_start_1:
0x0: {  	(tag) =	ssettag $0x1  }
0x1: {  	s1 =	rddreg [dreg:$0x0]  }
0x2: {  	s0 =	srdreg.scid;
	s7 =	rddreg [dreg:$0x1]  }
0x3: {  	s30 =	stileid.u32;
	s3 =	rddreg [dreg:$0x2]  }
0x4: {  	s4 =	simm.s32 $0x0;
	s17 =	simm.s32 $0x2800;
	s18 =	simm.s32 $0x3  }
0x5: {  	s19 =	simm.s32 $0x1400;
	s20 =	simm.s32 $0x1;
	s21 =	simm.s32 $0x2  }
0x6: {  	s22 =	simm.s32 $0x80;
	s23 =	simm.s32 $0x6800;
	s24 =	simm.s32 $0x1380  }
0x7: {  	s25 =	simm.s32 $0x2700;
	s26 =	simm.s32 $0x2780;
	s9 =	smul.u32 $0x14000, s30  }
0x8: {  	s28 =	simm.s32 $0x0;
	s6 =	sand.u32 $0x1, s0;
	s10 =	smul.u32 $0x50000, s30  }
0x9: {  	[smem:$0x7FF] =	sst s4;
	s2 =	sshll.u32 s6, $0x4;
	s8 =	smul.u32 $0x140000, s6  }
0xa: {  	_ =	strace $0x8000004D;
	s6 =	ssub.s32 $0x2, s6;
	s2 =	sor.u32 s30, s2  }
0xb: {  	s31 =	sshrl.u32 s6, $0x1;
	s10 =	sshrl.u32 s10, $0x2;
	s5 =	smul.u32 $0x2800, s2  }
0xc: {  	s8 =	sadd.s32 s9, s8;
	s16 =	ssub.s32 s6, s31;
	s6 =	sadd.s32 s10, s3  }
0xd: {  	s8 =	sshrl.u32 s8, $0x3;
	s9 =	sadd.s32 $0xC000, s6;
	s10 =	sadd.s32 $0x10000, s6  }
0xe: {  	s16 =	smax.u32 s16, $0x1;
	s5 =	sshrl.u32 s5, $0x3;
	s15 =	sadd.s32 s8, s7  }
0xf: {  	s8 =	sadd.s32 $0x8000, s6;
	s14 =	sadd.s32 s5, s7;
	s5 =	sadd.s32 $0x16600, s7  }
0x10: {  	s7 =	sadd.s32 $0x4000, s6;
	s15 =	sadd.s32 $0x16E00, s15;
	s11 =	sadd.s32 $0x2600, s14  }
0x11: {  	s12 =	sadd.s32 $0xC600, s14;
	s13 =	sadd.s32 $0x2880, s14;
	s14 =	sadd.s32 $0xC880, s14  }
.LBB2_1:
0x12: {  	[tilespmem:s17], [sflag:$0x3] =	stream.linear.gather [hbm4b:s5+s4], $0x4000, $0x38;
	[tilespmem:$0x1E800] =	vst v63  }
0x13: {  	_ =	swait.ge [sflag:s18], $0x4000  }
0x14: {  	[sflag:s18] =	ssyncset.done $0x0  }
0x15: {  	[sflag:s18] =	ssyncadd.s32 $0xFFFFC000  }
0x16: {  	[spmem:s6] =	stream.linear.scatter [tilespmem:s17], [sflag:$0x1], $0x4000, $0x38;
	[tilespmem:$0x1E800] =	vst v63  }
0x17: {  	_ = 	snop  }
0x18: {  	[spmem:s7] =	stream.linear.scatter [tilespmem:s17], [sflag:$0x1], $0x4000, $0x38;
	[tilespmem:$0x1E800] =	vst v63  }
0x19: {  	_ = 	snop  }
0x1a: {  	[spmem:s8] =	stream.linear.scatter [tilespmem:s17], [sflag:$0x1], $0x4000, $0x38;
	[tilespmem:$0x1E800] =	vst v63  }
0x1b: {  	_ = 	snop  }
0x1c: {  	[spmem:s9] =	stream.linear.scatter [tilespmem:s17], [sflag:$0x1], $0x4000, $0x38;
	[tilespmem:$0x1E800] =	vst v63  }
0x1d: {  	_ = 	snop  }
0x1e: {  	[spmem:s10] =	stream.linear.scatter [tilespmem:s17], [sflag:$0x1], $0x4000, $0x38;
	[tilespmem:$0x1E800] =	vst v63  }
0x1f: {  	_ = 	snop  }
0x20: {  	[tilespmem:s4], [sflag:$0x2] =	stream.linear.gather [hbm4b:s11+s4], $0x1400, $0x38;
	[tilespmem:$0x1E800] =	vst v63  }
0x21: {  	_ = 	snop  }
0x22: {  	[tilespmem:s19], [sflag:$0x2] =	stream.linear.gather [hbm4b:s12+s4], $0x1400, $0x38;
	[tilespmem:$0x1E800] =	vst v63  }
0x23: {  	_ =	swait.ge [sflag:s20], $0x4000  }
0x24: {  	[sflag:s20] =	ssyncset.done $0x0  }
0x25: {  	[sflag:s20] =	ssyncadd.s32 $0xFFFFC000  }
0x26: {  	_ =	swait.ge [sflag:s20], $0x4000  }
0x27: {  	[sflag:s20] =	ssyncset.done $0x0  }
0x28: {  	[sflag:s20] =	ssyncadd.s32 $0xFFFFC000  }
0x29: {  	_ =	swait.ge [sflag:s20], $0x4000  }
0x2a: {  	[sflag:s20] =	ssyncset.done $0x0  }
0x2b: {  	[sflag:s20] =	ssyncadd.s32 $0xFFFFC000  }
0x2c: {  	_ =	swait.ge [sflag:s20], $0x4000  }
0x2d: {  	[sflag:s20] =	ssyncset.done $0x0  }
0x2e: {  	[sflag:s20] =	ssyncadd.s32 $0xFFFFC000  }
0x2f: {  	_ =	swait.ge [sflag:s20], $0x4000  }
0x30: {  	[sflag:s20] =	ssyncset.done $0x0  }
0x31: {  	[sflag:s20] =	ssyncadd.s32 $0xFFFFC000  }
0x32: {  	_ =	swait.ge [sflag:s21], $0x1400  }
0x33: {  	[sflag:s21] =	ssyncset.done $0x0  }
0x34: {  	[sflag:s21] =	ssyncadd.s32 $0xFFFFEC00  }
0x35: {  	_ =	swait.ge [sflag:s21], $0x1400  }
0x36: {  	[sflag:s21] =	ssyncset.done $0x0  }
0x37: {  	[sflag:s21] =	ssyncadd.s32 $0xFFFFEC00  }
0x38: {  	[bflag:$0x0] =	sbarrier.arrive $0xFFFF  }
0x39: {  	[tilespmem:s17], [sflag:$0x1] =	stream.indirect.gather [hbm4b:s1+s22], $0x80, s4, s22, $0xb8;
	[tilespmem:$0x1E800] =	vst v63  }
0x3a: {  	s29 =	simm.s32 $0x80  }
0x3b: {  	[tilespmem:s23], [sflag:$0x2] =	stream.indirect.gather [hbm4b:s1+s22], $0x80, s29, s22, $0xb8;
	[tilespmem:$0x1E800] =	vst v63  }
0x3c: {  	_ =	swait.ge [sflag:s20], $0x4000  }
0x3d: {  	[sflag:s20] =	ssyncset.done $0x0  }
0x3e: {  	s29 =	simm.s32 $0x1400;
	[sflag:s20] =	ssyncadd.s32 $0xFFFFC000  }
0x3f: {  	[spmem:s3] =	stream.indirect.scatter.add.f32 [tilespmem:s17], [sflag:$0x3], $0x80, s29, s22, $0xb8;
	[tilespmem:$0x1E800] =	vst v63  }
0x40: {  	_ =	swait.ge [sflag:s18], $0x4000  }
0x41: {  	[sflag:s18] =	ssyncset.done $0x0  }
0x42: {  	s29 =	simm.s32 $0x100;
	[sflag:s18] =	ssyncadd.s32 $0xFFFFC000  }
0x43: {  	[tilespmem:s17], [sflag:$0x1] =	stream.indirect.gather [hbm4b:s1+s22], $0x80, s29, s22, $0xb8;
	[tilespmem:$0x1E800] =	vst v63  }
0x44: {  	_ =	swait.ge [sflag:s21], $0x4000  }
0x45: {  	[sflag:s21] =	ssyncset.done $0x0  }
0x46: {  	s29 =	simm.s32 $0x1480;
	[sflag:s21] =	ssyncadd.s32 $0xFFFFC000  }
0x47: {  	[spmem:s3] =	stream.indirect.scatter.add.f32 [tilespmem:s23], [sflag:$0x3], $0x80, s29, s22, $0xb8;
	[tilespmem:$0x1E800] =	vst v63  }
0x48: {  	_ =	swait.ge [sflag:s18], $0x4000  }
0x49: {  	s30 =	simm.s32 $0x800;
	s29 =	simm.s32 $0x100;
	[sflag:s18] =	ssyncset.done $0x0  }
.LBB2_2:
0x4a: {  	s31 =	sadd.s32 $0x80, s29  }
0x4b: {  	[sflag:s18] =	ssyncadd.s32 $0xFFFFC000;
	s2 =	smov.u32 s30;
	s0 =	sadd.s32 $0x400, s30  }
0x4c: {  	[tilespmem:s23], [sflag:$0x2] =	stream.indirect.gather [hbm4b:s1+s22], $0x80, s31, s22, $0xb8;
	[tilespmem:$0x1E800] =	vst v63  }
0x4d: {  	p0 =	sne.s32 s30, $0x4800;
	_ =	swait.ge [sflag:s20], $0x4000  }
0x4e: {  	[sflag:s20] =	ssyncset.done $0x0  }
0x4f: {  	s30 =	sadd.s32 $0x1400, s29;
	[sflag:s20] =	ssyncadd.s32 $0xFFFFC000  }
0x50: {  	[spmem:s3] =	stream.indirect.scatter.add.f32 [tilespmem:s17], [sflag:$0x3], $0x80, s30, s22, $0xb8;
	[tilespmem:$0x1E800] =	vst v63  }
0x51: {  	_ =	swait.ge [sflag:s18], $0x4000  }
0x52: {  	[sflag:s18] =	ssyncset.done $0x0  }
0x53: {  	s30 =	sadd.s32 $0x100, s29;
	[sflag:s18] =	ssyncadd.s32 $0xFFFFC000  }
0x54: {  	[tilespmem:s17], [sflag:$0x1] =	stream.indirect.gather [hbm4b:s1+s22], $0x80, s30, s22, $0xb8;
	[tilespmem:$0x1E800] =	vst v63  }
0x55: {  	_ =	swait.ge [sflag:s21], $0x4000  }
.Ltmp0:
0x56: {  	[sflag:s21] =	ssyncset.done $0x0;
	(pc) =	sbr.rel @p0 .LBB2_2-.Ltmp0, $4  }
0x57: {  	s29 =	sadd.s32 $0x1480, s29;
	[sflag:s21] =	ssyncadd.s32 $0xFFFFC000  }
0x58: {  	[spmem:s3] =	stream.indirect.scatter.add.f32 [tilespmem:s23], [sflag:$0x3], $0x80, s29, s22, $0xb8;
	[tilespmem:$0x1E800] =	vst v63  }
0x59: {  	_ =	swait.ge [sflag:s18], $0x4000  }
0x5a: {  	s30 =	smov.u32 s0;
	s29 =	sshra.s32 s2, $0x2;
	[sflag:s18] =	ssyncset.done $0x0  }
0x5b: {  	s0 =	sadd.s32 $0x80, s29;
	[sflag:s18] =	ssyncadd.s32 $0xFFFFC000  }
0x5c: {  	[tilespmem:s23], [sflag:$0x2] =	stream.indirect.gather [hbm4b:s1+s22], $0x80, s0, s22, $0xb8;
	[tilespmem:$0x1E800] =	vst v63  }
0x5d: {  	_ =	swait.ge [sflag:s20], $0x4000  }
0x5e: {  	[sflag:s20] =	ssyncset.done $0x0  }
0x5f: {  	s2 =	sadd.s32 $0x1400, s29;
	[sflag:s20] =	ssyncadd.s32 $0xFFFFC000  }
0x60: {  	[spmem:s3] =	stream.indirect.scatter.add.f32 [tilespmem:s17], [sflag:$0x3], $0x80, s2, s22, $0xb8;
	[tilespmem:$0x1E800] =	vst v63  }
0x61: {  	_ =	swait.ge [sflag:s18], $0x4000  }
0x62: {  	[sflag:s18] =	ssyncset.done $0x0  }
0x63: {  	s31 =	sadd.s32 $0x100, s29;
	[sflag:s18] =	ssyncadd.s32 $0xFFFFC000  }
0x64: {  	[tilespmem:s17], [sflag:$0x1] =	stream.indirect.gather [hbm4b:s1+s22], $0x80, s31, s22, $0xb8;
	[tilespmem:$0x1E800] =	vst v63  }
0x65: {  	_ =	swait.ge [sflag:s21], $0x4000  }
0x66: {  	[sflag:s21] =	ssyncset.done $0x0  }
0x67: {  	s2 =	sadd.s32 $0x1480, s29;
	[sflag:s21] =	ssyncadd.s32 $0xFFFFC000  }
0x68: {  	[spmem:s3] =	stream.indirect.scatter.add.f32 [tilespmem:s23], [sflag:$0x3], $0x80, s2, s22, $0xb8;
	[tilespmem:$0x1E800] =	vst v63  }
0x69: {  	_ =	swait.ge [sflag:s18], $0x4000  }
0x6a: {  	[sflag:s18] =	ssyncset.done $0x0  }
0x6b: {  	[sflag:s18] =	ssyncadd.s32 $0xFFFFC000  }
0x6c: {  	[tilespmem:s23], [sflag:$0x2] =	stream.indirect.gather [hbm4b:s1+s22], $0x80, s24, s22, $0xb8;
	[tilespmem:$0x1E800] =	vst v63  }
0x6d: {  	_ =	swait.ge [sflag:s20], $0x4000  }
0x6e: {  	[sflag:s20] =	ssyncset.done $0x0  }
0x6f: {  	[sflag:s20] =	ssyncadd.s32 $0xFFFFC000  }
0x70: {  	[spmem:s3] =	stream.indirect.scatter.add.f32 [tilespmem:s17], [sflag:$0x3], $0x80, s25, s22, $0xb8;
	[tilespmem:$0x1E800] =	vst v63  }
0x71: {  	_ =	swait.ge [sflag:s18], $0x4000  }
0x72: {  	[sflag:s18] =	ssyncset.done $0x0  }
0x73: {  	[sflag:s18] =	ssyncadd.s32 $0xFFFFC000  }
0x74: {  	_ =	swait.ge [sflag:s21], $0x4000  }
0x75: {  	[sflag:s21] =	ssyncset.done $0x0  }
0x76: {  	[sflag:s21] =	ssyncadd.s32 $0xFFFFC000  }
0x77: {  	[spmem:s3] =	stream.indirect.scatter.add.f32 [tilespmem:s23], [sflag:$0x3], $0x80, s26, s22, $0xb8;
	[tilespmem:$0x1E800] =	vst v63  }
0x78: {  	_ =	swait.ge [sflag:s18], $0x4000  }
0x79: {  	[sflag:s18] =	ssyncset.done $0x0  }
0x7a: {  	s31 =	simm.s32 $0x0;
	[sflag:s18] =	ssyncadd.s32 $0xFFFFC000  }
0x7b: {  	[tilespmem:s31], [sflag:$0x3] =	stream.linear.gather [hbm4b:s13+s31], $0x1400, $0x38;
	[tilespmem:$0x1E800] =	vst v63  }
0x7c: {  	_ =	swait.ge [sflag:s18], $0x1400  }
0x7d: {  	[sflag:s18] =	ssyncset.done $0x0  }
0x7e: {  	[sflag:s18] =	ssyncadd.s32 $0xFFFFEC00  }
0x7f: {  	[tilespmem:s19], [sflag:$0x3] =	stream.linear.gather [hbm4b:s14+s31], $0x1400, $0x38;
	[tilespmem:$0x1E800] =	vst v63  }
0x80: {  	_ =	swait.ge [sflag:s18], $0x1400  }
0x81: {  	[sflag:s18] =	ssyncset.done $0x0  }
0x82: {  	[sflag:s18] =	ssyncadd.s32 $0xFFFFEC00  }
0x83: {  	[tilespmem:s17], [sflag:$0x1] =	stream.indirect.gather [hbm4b:s1+s22], $0x80, s31, s22, $0xb8;
	[tilespmem:$0x1E800] =	vst v63  }
0x84: {  	s2 =	simm.s32 $0x80  }
0x85: {  	[tilespmem:s23], [sflag:$0x2] =	stream.indirect.gather [hbm4b:s1+s22], $0x80, s2, s22, $0xb8;
	[tilespmem:$0x1E800] =	vst v63  }
0x86: {  	_ =	swait.ge [sflag:s20], $0x4000  }
0x87: {  	[sflag:s20] =	ssyncset.done $0x0  }
0x88: {  	s31 =	simm.s32 $0x1400;
	[sflag:s20] =	ssyncadd.s32 $0xFFFFC000  }
0x89: {  	[spmem:s3] =	stream.indirect.scatter.add.f32 [tilespmem:s17], [sflag:$0x3], $0x80, s31, s22, $0xb8;
	[tilespmem:$0x1E800] =	vst v63  }
0x8a: {  	_ =	swait.ge [sflag:s18], $0x4000  }
0x8b: {  	[sflag:s18] =	ssyncset.done $0x0  }
0x8c: {  	s2 =	simm.s32 $0x100;
	[sflag:s18] =	ssyncadd.s32 $0xFFFFC000  }
0x8d: {  	[tilespmem:s17], [sflag:$0x1] =	stream.indirect.gather [hbm4b:s1+s22], $0x80, s2, s22, $0xb8;
	[tilespmem:$0x1E800] =	vst v63  }
0x8e: {  	_ =	swait.ge [sflag:s21], $0x4000  }
0x8f: {  	[sflag:s21] =	ssyncset.done $0x0  }
0x90: {  	s31 =	simm.s32 $0x1480;
	[sflag:s21] =	ssyncadd.s32 $0xFFFFC000  }
0x91: {  	[spmem:s3] =	stream.indirect.scatter.add.f32 [tilespmem:s23], [sflag:$0x3], $0x80, s31, s22, $0xb8;
	[tilespmem:$0x1E800] =	vst v63  }
0x92: {  	_ =	swait.ge [sflag:s18], $0x4000  }
0x93: {  	s30 =	simm.s32 $0x800;
	s29 =	simm.s32 $0x100;
	[sflag:s18] =	ssyncset.done $0x0  }
.LBB2_4:
0x94: {  	s0 =	sadd.s32 $0x80, s29  }
0x95: {  	[sflag:s18] =	ssyncadd.s32 $0xFFFFC000;
	s2 =	smov.u32 s30;
	s31 =	sadd.s32 $0x400, s30  }
0x96: {  	[tilespmem:s23], [sflag:$0x2] =	stream.indirect.gather [hbm4b:s1+s22], $0x80, s0, s22, $0xb8;
	[tilespmem:$0x1E800] =	vst v63  }
0x97: {  	p0 =	sne.s32 s30, $0x4800;
	_ =	swait.ge [sflag:s20], $0x4000  }
0x98: {  	[sflag:s20] =	ssyncset.done $0x0  }
0x99: {  	s0 =	sadd.s32 $0x1400, s29;
	[sflag:s20] =	ssyncadd.s32 $0xFFFFC000  }
0x9a: {  	[spmem:s3] =	stream.indirect.scatter.add.f32 [tilespmem:s17], [sflag:$0x3], $0x80, s0, s22, $0xb8;
	[tilespmem:$0x1E800] =	vst v63  }
0x9b: {  	_ =	swait.ge [sflag:s18], $0x4000  }
0x9c: {  	[sflag:s18] =	ssyncset.done $0x0  }
0x9d: {  	s0 =	sadd.s32 $0x100, s29;
	[sflag:s18] =	ssyncadd.s32 $0xFFFFC000  }
0x9e: {  	[tilespmem:s17], [sflag:$0x1] =	stream.indirect.gather [hbm4b:s1+s22], $0x80, s0, s22, $0xb8;
	[tilespmem:$0x1E800] =	vst v63  }
0x9f: {  	_ =	swait.ge [sflag:s21], $0x4000  }
.Ltmp1:
0xa0: {  	[sflag:s21] =	ssyncset.done $0x0;
	(pc) =	sbr.rel @p0 .LBB2_4-.Ltmp1, $4  }
0xa1: {  	s0 =	sadd.s32 $0x1480, s29;
	[sflag:s21] =	ssyncadd.s32 $0xFFFFC000  }
0xa2: {  	[spmem:s3] =	stream.indirect.scatter.add.f32 [tilespmem:s23], [sflag:$0x3], $0x80, s0, s22, $0xb8;
	[tilespmem:$0x1E800] =	vst v63  }
0xa3: {  	_ =	swait.ge [sflag:s18], $0x4000  }
0xa4: {  	s30 =	smov.u32 s31;
	s29 =	sshra.s32 s2, $0x2;
	[sflag:s18] =	ssyncset.done $0x0  }
0xa5: {  	s0 =	sadd.s32 $0x80, s29;
	[sflag:s18] =	ssyncadd.s32 $0xFFFFC000  }
0xa6: {  	[tilespmem:s23], [sflag:$0x2] =	stream.indirect.gather [hbm4b:s1+s22], $0x80, s0, s22, $0xb8;
	[tilespmem:$0x1E800] =	vst v63  }
0xa7: {  	_ =	swait.ge [sflag:s20], $0x4000  }
0xa8: {  	[sflag:s20] =	ssyncset.done $0x0  }
0xa9: {  	s31 =	sadd.s32 $0x1400, s29;
	[sflag:s20] =	ssyncadd.s32 $0xFFFFC000  }
0xaa: {  	[spmem:s3] =	stream.indirect.scatter.add.f32 [tilespmem:s17], [sflag:$0x3], $0x80, s31, s22, $0xb8;
	[tilespmem:$0x1E800] =	vst v63  }
0xab: {  	_ =	swait.ge [sflag:s18], $0x4000  }
0xac: {  	[sflag:s18] =	ssyncset.done $0x0  }
0xad: {  	s2 =	sadd.s32 $0x100, s29;
	[sflag:s18] =	ssyncadd.s32 $0xFFFFC000  }
0xae: {  	[tilespmem:s17], [sflag:$0x1] =	stream.indirect.gather [hbm4b:s1+s22], $0x80, s2, s22, $0xb8;
	[tilespmem:$0x1E800] =	vst v63  }
0xaf: {  	_ =	swait.ge [sflag:s21], $0x4000  }
0xb0: {  	[sflag:s21] =	ssyncset.done $0x0  }
0xb1: {  	s30 =	sadd.s32 $0x1480, s29;
	[sflag:s21] =	ssyncadd.s32 $0xFFFFC000  }
0xb2: {  	[spmem:s3] =	stream.indirect.scatter.add.f32 [tilespmem:s23], [sflag:$0x3], $0x80, s30, s22, $0xb8;
	[tilespmem:$0x1E800] =	vst v63  }
0xb3: {  	_ =	swait.ge [sflag:s18], $0x4000  }
0xb4: {  	[sflag:s18] =	ssyncset.done $0x0  }
0xb5: {  	[sflag:s18] =	ssyncadd.s32 $0xFFFFC000  }
0xb6: {  	[tilespmem:s23], [sflag:$0x2] =	stream.indirect.gather [hbm4b:s1+s22], $0x80, s24, s22, $0xb8;
	[tilespmem:$0x1E800] =	vst v63  }
0xb7: {  	_ =	swait.ge [sflag:s20], $0x4000  }
0xb8: {  	[sflag:s20] =	ssyncset.done $0x0  }
0xb9: {  	[sflag:s20] =	ssyncadd.s32 $0xFFFFC000  }
0xba: {  	[spmem:s3] =	stream.indirect.scatter.add.f32 [tilespmem:s17], [sflag:$0x3], $0x80, s25, s22, $0xb8;
	[tilespmem:$0x1E800] =	vst v63  }
0xbb: {  	_ =	swait.ge [sflag:s18], $0x4000  }
0xbc: {  	[sflag:s18] =	ssyncset.done $0x0  }
0xbd: {  	[sflag:s18] =	ssyncadd.s32 $0xFFFFC000  }
0xbe: {  	_ =	swait.ge [sflag:s21], $0x4000  }
0xbf: {  	[sflag:s21] =	ssyncset.done $0x0  }
0xc0: {  	[sflag:s21] =	ssyncadd.s32 $0xFFFFC000  }
0xc1: {  	[spmem:s3] =	stream.indirect.scatter.add.f32 [tilespmem:s23], [sflag:$0x3], $0x80, s26, s22, $0xb8;
	[tilespmem:$0x1E800] =	vst v63  }
0xc2: {  	s31 =	stileid.u32;
	_ =	swait.ge [sflag:s18], $0x4000  }
0xc3: {  	s28 =	sadd.s32 $0x1, s28;
	s0 =	sshll.u32 s31, $0x6;
	[sflag:s18] =	ssyncset.done $0x0  }
0xc4: {  	p0 =	sne.s32 s28, s16;
	s0 =	sor.u32 $0x1C03, s0;
	[sflag:s18] =	ssyncadd.s32 $0xFFFFC000  }
.Ltmp2:
0xc5: {  	s2 =	sshrl.u32 s6, $0x3;
	[bflag:$0x0] =	sbarrier.arrive $0xFFFF;
	(pc) =	sbr.rel @p0 .LBB2_1-.Ltmp2, $4  }
0xc6: {  	[hbm:s15], [sflag:s0] =	dma.local [spmem:s2], $0x2800  }
0xc7: {  	_ =	swait.ge [sflag:s18], $0x2800  }
0xc8: {  	[sflag:s18] =	ssyncset.done $0x0  }
0xc9: {  	[sflag:s18] =	ssyncadd.s32 $0xFFFFD800  }
0xca: {  	_ =	sfence.sel $0x180000  }
0xcb: {  	[bflag:$0x0] =	sbarrier.arrive $0xFFFF  }
0xcc: {  	_ =	strace $0x9000004D  }
0xcd: {  	s0 =	stileid.u32;
	[bflag:$0x2] =	sbarrier.arrive $0xFFFF  }
0xce: {  	p0 =	sne.s32 s0, $0x0;
	s0 =	rddreg [dreg:$0x3]  }
0xcf: {  	s0 =	sadd.s32 @!p0 $0x100000, s0  }
0xd0: {  	[sflag:s0] =	ssyncadd.tile.s32 @!p0 $0x1;
	_ =	shalt  }
.Lfunc_end2:
_tile_overlayer_lowered:
.L_overlay_start_2:
0xd1: {  	(tag) =	ssettag $0x2  }
0xd2: {  	s0 =	rddreg [dreg:$0x0];
	s2 =	stileid.u32  }
0xd3: {  	s1 =	rddreg [dreg:$0x1];
	p0 =	sne.s32 s2, $0x0  }
0xd4: {  	s3 =	rddreg [dreg:$0x2];
	[bflag:$0x3] =	sbarrier.arrive $0xFFFF;
	s2 =	simm.s32 @!p0 $0x1C03  }
0xd5: {  	[timem:s3], [sflag:s2] =	dma.local @!p0 [hbm:s0], s1  }
0xd6: {  	s0 =	simm.s32 @!p0 $0x3  }
0xd7: {  	_ =	swait.ge @!p0 [sflag:s0], s1  }
0xd8: {  	s1 =	ssub.s32 @!p0 $0x0, s1;
	[sflag:s0] =	ssyncset.done @!p0 $0x0  }
0xd9: {  	[sflag:s0] =	ssyncadd.s32 @!p0 s1  }
0xda: {  	[bflag:$0x3] =	sbarrier.arrive $0xFFFF  }
0xdb: {  	_ =	shalt  }

// kernel: kernel.9.cloned.1.call-start
scs
__scs_entry_jumppad:
0x0: {  	(pc) =	sbr.rel $0x88, $3  }
0x1: {  	(tag) =	ssettag $0x0;
	lr =	simm.s32 $0x1  }
0x2: {  	[smem:$0x3F9B] =	sst lr;
	_ =	strace $0xD0000000  }
0x3: {  	_ = 	snop  }
0x4: {  	_ = 	snop  }
0x5: {  	_ = 	snop  }
0x6: {  	_ = 	snop  }
0x7: {  	_ = 	snop  }
__scs_overlays_trampoline_lowered:
0x8: {  	[smem:$0x3FAA] =	sst s0  }
0x9: {  	[smem:$0x3FAB] =	sst s1  }
0xa: {  	[smem:$0x3FAC] =	sst s2  }
0xb: {  	[smem:$0x3FAD] =	sst s3  }
0xc: {  	[smem:$0x3FAE] =	sst s4  }
0xd: {  	[smem:$0x3FAF] =	sst s5  }
0xe: {  	[smem:$0x3FB0] =	sst s6  }
0xf: {  	[smem:$0x3FB1] =	sst s7  }
0x10: {  	[smem:$0x3FB2] =	sst s8  }
0x11: {  	[smem:$0x3FB3] =	sst s9;
	s0 =	simm.s32 @!p0 $0x0  }
0x12: {  	s1 =	sld [smem:$0x3F99];
	s0 =	simm.s32 @p0 $0x1  }
0x13: {  	[smem:$0x3FB4] =	sst s0;
	s0 =	simm.s32 @!p1 $0x0  }
0x14: {  	s2 =	sld [smem:$0x3F98];
	s0 =	simm.s32 @p1 $0x1  }
0x15: {  	[smem:$0x3FB5] =	sst s0;
	s0 =	simm.s32 @!p2 $0x0  }
0x16: {  	s3 =	sld [smem:$0x3FDB];
	s0 =	simm.s32 @p2 $0x1  }
0x17: {  	s4 =	simm.s32 $0x1BF5;
	[smem:$0x3FB7] =	sst s0  }
0x18: {  	s0 =	sld [smem:$0x3F9A];
	_ =	swait.ge [sflag:s4], $0x0  }
0x19: {  	s7 =	sld [smem:$0x3F9B]  }
0x1a: {  	s8 =	sadd.s32 $0xFFFFE003, lr  }
0x1b: {  	s9 =	sadd.s32 $0xFFFFFEF7, lr;
	s5 =	simm.s32 $0xFFFFFFFF;
	p2 =	slt.u32 s8, $0xFFFFF086  }
0x1c: {  	p1 =	slt.u32 s9, $0xF7A;
	s5 =	simm.s32 @!p2 $0x0  }
0x1d: {  	s5 =	simm.s32 @p1 $0x1;
	p0 =	seq.s32 s7, s2  }
0x1e: {  	s7 =	smul.u32 @!p0 $0xF7A, s2;
	p2 =	seq.s32 @!p0 s5, $0x0  }
0x1f: {  	s9 =	smul.u32 $0xF7A, s1;
	s8 =	simm.s32 @!p0 $0x1BF5;
	p2 =	por !p2, p0  }
0x20: {  	[sflag:s8] =	ssyncset.s32 @!p0 $0xFFFFF086;
	s6 =	sadd.s32 @!p0 s3, s7;
	s7 =	simm.s32 @!p0 $0x108  }
0x21: {  	s3 =	sadd.s32 s3, s9;
	s6 =	sadd.s32 @!p0 $0x88, s6;
	s7 =	simm.s32 @p2 $0x1082  }
0x22: {  	[simem:s7], [sflag:s8] =	dma.local @!p0 [hbm:s6], $0xF7A  }
0x23: {  	s9 =	sor.u32 $0xD0000000, s2;
	s6 =	simm.s32 $0x108;
	_ =	swait.ge @!p0 [sflag:s8], $0x0  }
0x24: {  	s3 =	sadd.s32 $0x88, s3;
	s6 =	simm.s32 @!p1 $0x1082;
	[sflag:s4] =	ssyncset.s32 $0xFFFFF086  }
0x25: {  	[simem:s6], [sflag:s4] =	dma.local [hbm:s3], $0xF7A  }
0x26: {  	[smem:$0x3F9B] =	sst s1;
	(tag) =	ssettag s2;
	_ =	strace s9  }
0x27: {  	s1 =	sld [smem:$0x3FAB]  }
0x28: {  	s2 =	sld [smem:$0x3FAC]  }
0x29: {  	s4 =	sld [smem:$0x3FAE]  }
0x2a: {  	p0 =	seq.s32 s5, $0x0;
	s5 =	sld [smem:$0x3FAF]  }
0x2b: {  	s6 =	sld [smem:$0x3FB0]  }
0x2c: {  	s7 =	sld [smem:$0x3FB1]  }
0x2d: {  	s3 =	simm.s32 $0x108;
	s8 =	sld [smem:$0x3FB2]  }
0x2e: {  	s3 =	simm.s32 @!p0 $0x1082;
	s9 =	sld [smem:$0x3FB3]  }
0x2f: {  	lr =	sadd.s32 s0, s3;
	s0 =	sld [smem:$0x3FAA]  }
0x30: {  	s3 =	sld [smem:$0x3FAD]  }
0x31: {  	[smem:$0x3FB6] =	sst s10  }
0x32: {  	s10 =	sld [smem:$0x3FB4];
	_ =	sdelay $0x3  }
0x33: {  	p0 =	seq.s32 s10, $0x1;
	s10 =	sld [smem:$0x3FB6];
	_ =	sdelay $0x3  }
0x34: {  	[smem:$0x3FB6] =	sst s10  }
0x35: {  	s10 =	sld [smem:$0x3FB5];
	_ =	sdelay $0x3  }
0x36: {  	p1 =	seq.s32 s10, $0x1;
	s10 =	sld [smem:$0x3FB6];
	_ =	sdelay $0x3  }
0x37: {  	[smem:$0x3FB6] =	sst s10  }
0x38: {  	s10 =	sld [smem:$0x3FB7]  }
0x39: {  	_ = 	snop;
	(pc) =	sbr.ind lr, $3  }
0x3a: {  	_ = 	snop  }
0x3b: {  	_ = 	snop  }
0x3c: {  	p2 =	seq.s32 s10, $0x1;
	s10 =	sld [smem:$0x3FB6]  }
0x3d: {  	_ =	shalt  }
0x3e: {  	_ =	shalt  }
0x3f: {  	_ =	shalt  }
0x40: {  	_ =	shalt  }
0x41: {  	_ =	shalt  }
0x42: {  	_ =	shalt  }
0x43: {  	_ =	shalt  }
0x44: {  	_ =	shalt  }
0x45: {  	_ =	shalt  }
0x46: {  	_ =	shalt  }
0x47: {  	_ =	shalt  }
0x48: {  	_ =	shalt  }
0x49: {  	_ =	shalt  }
0x4a: {  	_ =	shalt  }
0x4b: {  	_ =	shalt  }
0x4c: {  	_ =	shalt  }
0x4d: {  	_ =	shalt  }
0x4e: {  	_ =	shalt  }
0x4f: {  	_ =	shalt  }
0x50: {  	_ =	shalt  }
0x51: {  	_ =	shalt  }
0x52: {  	_ =	shalt  }
0x53: {  	_ =	shalt  }
0x54: {  	_ =	shalt  }
0x55: {  	_ =	shalt  }
0x56: {  	_ =	shalt  }
0x57: {  	_ =	shalt  }
0x58: {  	_ =	shalt  }
0x59: {  	_ =	shalt  }
0x5a: {  	_ =	shalt  }
0x5b: {  	_ =	shalt  }
0x5c: {  	_ =	shalt  }
0x5d: {  	_ =	shalt  }
0x5e: {  	_ =	shalt  }
0x5f: {  	_ =	shalt  }
0x60: {  	_ =	shalt  }
0x61: {  	_ =	shalt  }
0x62: {  	_ =	shalt  }
0x63: {  	_ =	shalt  }
0x64: {  	_ =	shalt  }
0x65: {  	_ =	shalt  }
0x66: {  	_ =	shalt  }
0x67: {  	_ =	shalt  }
0x68: {  	_ =	shalt  }
0x69: {  	_ =	shalt  }
0x6a: {  	_ =	shalt  }
0x6b: {  	_ =	shalt  }
0x6c: {  	_ =	shalt  }
0x6d: {  	_ =	shalt  }
0x6e: {  	_ =	shalt  }
0x6f: {  	_ =	shalt  }
0x70: {  	_ =	shalt  }
0x71: {  	_ =	shalt  }
0x72: {  	_ =	shalt  }
0x73: {  	_ =	shalt  }
0x74: {  	_ =	shalt  }
0x75: {  	_ =	shalt  }
0x76: {  	_ =	shalt  }
0x77: {  	_ =	shalt  }
0x78: {  	_ =	shalt  }
0x79: {  	_ =	shalt  }
0x7a: {  	_ =	shalt  }
0x7b: {  	_ =	shalt  }
0x7c: {  	_ =	shalt  }
0x7d: {  	_ =	shalt  }
0x7e: {  	_ =	shalt  }
0x7f: {  	_ =	shalt  }
0x80: {  	_ =	shalt  }
0x81: {  	_ =	shalt  }
0x82: {  	_ =	shalt  }
0x83: {  	_ =	shalt  }
0x84: {  	_ =	shalt  }
0x85: {  	_ =	shalt  }
0x86: {  	_ =	shalt  }
0x87: {  	_ =	shalt  }
.Lfunc_end0:
.L_simem_size_0:
called_computation_lowered:
.L_overlay_start_0:
0x88: {  	s2 =	sld [smem:$0x3FD9]  }
0x89: {  	s3 =	sld [smem:$0x3FFE];
	_ =	sdelay $0x1  }
0x8a: {  	s1 =	srdreg.scid  }
0x8b: {  	s0 =	sand.u32 $0x1, s1  }
0x8c: {  	s17 =	sshll.u32 s0, $0xA;
	s2 =	sadd.s32 s3, s2  }
0x8d: {  	s2 =	sadd.s32 s2, s17  }
0x8e: {  	[smem:$0x3FC2] =	sst s2  }
0x8f: {  	_ = 	snop  }
0x90: {  	s2 =	sld [smem:$0x3FD0];
	(tm) =	ssettm $0x1  }
0x91: {  	s18 =	sld [smem:$0x3FFB];
	_ =	sdelay $0x3  }
0x92: {  	_ =	strace s18  }
0x93: {  	s3 =	sld [smem:$0x3FFC];
	_ =	sdelay $0x3  }
0x94: {  	_ =	strace s3  }
0x95: {  	s3 =	sld [smem:$0x3FFD];
	_ =	sdelay $0x3  }
0x96: {  	_ =	strace s3  }
0x97: {  	_ =	strace $0x8FFFFFFF  }
0x98: {  	s19 =	sld [smem:$0x3FDB];
	_ =	sdelay $0x1  }
0x99: {  	s4 =	simm.s32 $_scs_section_size  }
0x9a: {  	s5 =	simm.s32 $_size__tile_overlayer_lowered;
	s6 =	simm.s32 $_tile_overlayer_lowered  }
0x9b: {  	s22 =	simm.s32 $0x1BFF;
	s21 =	sshll.u32 s6, $0x1;
	s3 =	sadd.s32 s4, s19  }
0x9c: {  	s7 =	simm.s32 $0x0;
	s20 =	sshll.u32 s5, $0x1;
	s5 =	sadd.s32 s21, s3  }
0x9d: {  	[timem:s7], [sflag:s22] =	dma.local [hbm:s5], s20  }
0x9e: {  	_ =	swait.ge [sflag:s22], s20  }
0x9f: {  	s4 =	ssub.s32 $0x0, s20;
	[sflag:s22] =	ssyncset.done $0x0  }
0xa0: {  	[sflag:s22] =	ssyncadd.s32 s4;
	_ =	sdelay $0x1  }
0xa1: {  	s23 =	simm.s32 $0x1B8B  }
0xa2: {  	_ =	swait.ge [sflag:s23], $0x1  }
0xa3: {  	[sflag:s23] =	ssyncset.done $0x0  }
0xa4: {  	s25 =	simm.s32 $0x1B8E;
	s24 =	sld [smem:$0x3FFE];
	[sflag:s23] =	ssyncadd.s32 $0xFFFFFFFF  }
0xa5: {  	s26 =	simm.s32 $execute0_lowered;
	[smem:$0x3FD2] =	sst s25  }
0xa6: {  	s5 =	sshll.u32 s26, $0x1;
	_ =	strace $0x80000046;
	[dreg:$0x1] =	wrdreg $0xFFFFFFFF  }
0xa7: {  	s28 =	simm.s32 $_size_execute0_lowered;
	s3 =	sadd.s32 s3, s5;
	[dreg:$0x0] =	wrdreg $0x0  }
0xa8: {  	s5 =	sshll.u32 s28, $0x1;
	[dreg:$0x2] =	wrdreg s3  }
0xa9: {  	[dreg:$0x3] =	wrdreg s5  }
0xaa: {  	[dreg:$0x4] =	wrdreg $0xC0  }
0xab: {  	_ =	task [dreg:s7], $0x5FFFF  }
0xac: {  	[dreg:$0x1] =	wrdreg $0xFFFFFFFF  }
0xad: {  	[dreg:$0x0] =	wrdreg $0x60  }
0xae: {  	[dreg:$0x2] =	wrdreg s24  }
0xaf: {  	[dreg:$0x3] =	wrdreg s2  }
0xb0: {  	[dreg:$0x4] =	wrdreg $0x50800  }
0xb1: {  	[dreg:$0x5] =	wrdreg $0x53000  }
0xb2: {  	[dreg:$0x6] =	wrdreg $0x9  }
0xb3: {  	_ =	task.clear_ibuf [dreg:s7], $0x7FFFF;
	_ =	strace $0x90000046  }
0xb4: {  	s29 =	simm.s32 $0x9;
	_ =	strace $0x80000048  }
0xb5: {  	_ =	swait.ge [sflag:s29], $0x1  }
0xb6: {  	[sflag:s29] =	ssyncadd.s32 $0xFFFFFFFF  }
0xb7: {  	_ =	strace $0x90000048  }
0xb8: {  	_ =	sfence  }
0xb9: {  	s30 =	sld [smem:$0x0];
	_ =	sdelay $0x2  }
0xba: {  	s31 =	sshll.u32 s1, $0xD;
	s1 =	sshrl.u32 s1, $0x2  }
0xbb: {  	s3 =	sand.u32 $0x4000, s31;
	s1 =	sadd.s32 s1, s30  }
0xbc: {  	s0 =	sor.u32 s3, s0;
	s1 =	sshll.u32 s1, $0x11  }
0xbd: {  	s0 =	sor.u32 s1, s0  }
0xbe: {  	s0 =	sadd.s32 $0x8F2B, s0  }
0xbf: {  	[sflag:s0] =	ssyncadd.remote.s32 $0x1  }
0xc0: {  	_ =	sfence.sel $0xFFFF  }
0xc1: {  	[dreg:$0x0] =	wrdreg $0xFFFFFFFF;
	(pc) =	sbr.abs _section_cstart, $3  }
0xc2: {  	[dreg:$0x1] =	wrdreg $0xFFFFFFFF  }
0xc3: {  	_ =	task.clear_ibuf [dreg:s7], $0x2FFFF;
	_ =	strace $0x9FFFFFFF  }
0xc4: {  	(tm) =	ssettm $0x7FFFFFFF  }
0xc5: {  	_ =	shalt  }
tec
execute0_lowered:
.L_overlay_start_1:
0x0: {  	(tag) =	ssettag $0x1  }
0x1: {  	s6 =	rddreg [dreg:$0x0]  }
0x2: {  	s9 =	rddreg [dreg:$0x1]  }
0x3: {  	s0 =	srdreg.scid;
	s2 =	rddreg [dreg:$0x2]  }
0x4: {  	s3 =	rddreg [dreg:$0x3];
	s4 =	simm.s32 $0x0;
	s16 =	simm.s32 $0x2800  }
0x5: {  	s17 =	simm.s32 $0x5000;
	s18 =	simm.s32 $0x80;
	s19 =	simm.s32 $0x20  }
0x6: {  	s20 =	simm.s32 $0x10;
	s5 =	sand.u32 $0x1, s0;
	s0 =	stileid.u32  }
0x7: {  	s21 =	simm.s32 $0x0;
	[smem:$0x7FF] =	sst s4;
	s8 =	smul.u32 $0x280, s0  }
0x8: {  	s1 =	sshll.u32 s5, $0x4;
	s28 =	ssub.s32 $0x2, s5;
	s11 =	smul.u32 $0x5000, s5  }
0x9: {  	s14 =	smul.u32 $0x500, s0;
	s5 =	sadd.s32 $0x16C00, s6;
	s31 =	sshll.u32 s0, $0x6  }
0xa: {  	s7 =	sor.u32 s0, s1;
	s1 =	rddreg [dreg:$0x4];
	_ =	strace $0x80000047  }
0xb: {  	s13 =	sshrl.u32 s28, $0x1;
	s7 =	smul.u32 $0x2800, s7;
	s12 =	sshrl.u32 s8, $0x3  }
0xc: {  	s29 =	ssub.s32 s28, s13;
	s30 =	sadd.s32 s8, s2;
	s11 =	sadd.s32 s14, s11  }
0xd: {  	s15 =	sadd.s32 s8, s3;
	s14 =	simm.s32 $0x1;
	s11 =	sshrl.u32 s11, $0x3  }
0xe: {  	s13 =	sshrl.u32 s30, $0x3;
	s15 =	sshrl.u32 s15, $0x3;
	s7 =	sshrl.u32 s7, $0x3  }
0xf: {  	s9 =	sadd.s32 s9, s11;
	s10 =	sadd.s32 s7, s6;
	s6 =	sadd.s32 s12, s6  }
0x10: {  	s7 =	sor.u32 $0x1C01, s31;
	s11 =	sadd.s32 $0x10, s9;
	s12 =	smax.u32 s29, $0x1  }
0x11: {  	s6 =	sadd.s32 $0x16600, s6;
	s8 =	sadd.s32 $0x2600, s10;
	s10 =	sadd.s32 $0xC600, s10  }
.LBB2_1:
0x12: {  	[spmem:s13], [sflag:s7] =	dma.local [hbm:s6], $0x50  }
0x13: {  	_ =	swait.ge [sflag:s14], $0x50  }
0x14: {  	[sflag:s14] =	ssyncset.done $0x0  }
0x15: {  	[sflag:s14] =	ssyncadd.s32 $0xFFFFFFB0  }
0x16: {  	[spmem:s15], [sflag:s7] =	dma.local [hbm:s6], $0x50  }
0x17: {  	_ =	swait.ge [sflag:s14], $0x50  }
0x18: {  	[sflag:s14] =	ssyncset.done $0x0  }
0x19: {  	[sflag:s14] =	ssyncadd.s32 $0xFFFFFFB0  }
0x1a: {  	[tilespmem:s4], [sflag:$0x1] =	stream.linear.gather [hbm4b:s8+s4], $0x2800, $0x38;
	[tilespmem:$0x5580] =	vst v63  }
0x1b: {  	_ =	swait.ge [sflag:s14], $0x2800  }
0x1c: {  	[sflag:s14] =	ssyncset.done $0x0  }
0x1d: {  	[sflag:s14] =	ssyncadd.s32 $0xFFFFD800  }
0x1e: {  	[tilespmem:s16], [sflag:$0x1] =	stream.linear.gather [hbm4b:s10+s4], $0x2800, $0x38;
	[tilespmem:$0x5580] =	vst v63  }
0x1f: {  	_ =	swait.ge [sflag:s14], $0x2800  }
0x20: {  	[sflag:s14] =	ssyncset.done $0x0  }
0x21: {  	[sflag:s14] =	ssyncadd.s32 $0xFFFFD800  }
0x22: {  	[tilespmem:s17], [sflag:$0x1] =	stream.linear.gather [hbm4b:s5+s4], $0x80, $0x38;
	[tilespmem:$0x5580] =	vst v63  }
0x23: {  	_ =	swait.ge [sflag:s14], $0x80  }
0x24: {  	[sflag:s14] =	ssyncset.done $0x0  }
0x25: {  	[sflag:s14] =	ssyncadd.s32 $0xFFFFFF80  }
0x26: {  	s22 =	simm.s32 $0x0;
	[bflag:$0x0] =	sbarrier.arrive $0xFFFF  }
0x27: {  	[spmem:s2] =	stream.indirect.scatter.add.f32 [tilespmem:s17], [sflag:$0x1], $0x1, s22, s18, $0xb8;
	[tilespmem:$0x5580] =	vst v63  }
0x28: {  	_ =	swait.ge [sflag:s14], $0x80  }
0x29: {  	[sflag:s14] =	ssyncset.done $0x0  }
0x2a: {  	s31 =	simm.s32 $0x2800;
	[sflag:s14] =	ssyncadd.s32 $0xFFFFFF80  }
0x2b: {  	[spmem:s3] =	stream.indirect.scatter.add.f32 [tilespmem:s17], [sflag:$0x1], $0x1, s31, s18, $0xb8;
	[tilespmem:$0x5580] =	vst v63  }
0x2c: {  	_ =	swait.ge [sflag:s14], $0x80  }
0x2d: {  	s23 =	simm.s32 $0x400;
	s22 =	simm.s32 $0x200;
	[sflag:s14] =	ssyncset.done $0x0  }
.LBB2_2:
0x2e: {  	s24 =	sshra.s32 s22, $0x2  }
0x2f: {  	[sflag:s14] =	ssyncadd.s32 $0xFFFFFF80;
	s22 =	smov.u32 s23;
	s25 =	sadd.s32 $0x200, s23  }
0x30: {  	[spmem:s2] =	stream.indirect.scatter.add.f32 [tilespmem:s17], [sflag:$0x1], $0x1, s24, s18, $0xb8;
	[tilespmem:$0x5580] =	vst v63  }
0x31: {  	p0 =	sne.s32 s23, $0x9E00;
	_ =	swait.ge [sflag:s14], $0x80  }
.Ltmp0:
0x32: {  	[sflag:s14] =	ssyncset.done $0x0;
	(pc) =	sbr.rel @p0 .LBB2_2-.Ltmp0, $4  }
0x33: {  	s23 =	sadd.s32 $0x2800, s24;
	[sflag:s14] =	ssyncadd.s32 $0xFFFFFF80  }
0x34: {  	[spmem:s3] =	stream.indirect.scatter.add.f32 [tilespmem:s17], [sflag:$0x1], $0x1, s23, s18, $0xb8;
	[tilespmem:$0x5580] =	vst v63  }
0x35: {  	_ =	swait.ge [sflag:s14], $0x80  }
0x36: {  	s23 =	smov.u32 s25;
	[sflag:s14] =	ssyncset.done $0x0  }
0x37: {  	s22 =	sshra.s32 s22, $0x2;
	[sflag:s14] =	ssyncadd.s32 $0xFFFFFF80  }
0x38: {  	[spmem:s2] =	stream.indirect.scatter.add.f32 [tilespmem:s17], [sflag:$0x1], $0x1, s22, s18, $0xb8;
	[tilespmem:$0x5580] =	vst v63  }
0x39: {  	_ =	swait.ge [sflag:s14], $0x80  }
0x3a: {  	[sflag:s14] =	ssyncset.done $0x0  }
0x3b: {  	s22 =	sadd.s32 $0x2800, s22;
	[sflag:s14] =	ssyncadd.s32 $0xFFFFFF80  }
0x3c: {  	[spmem:s3] =	stream.indirect.scatter.add.f32 [tilespmem:s17], [sflag:$0x1], $0x1, s22, s18, $0xb8;
	[tilespmem:$0x5580] =	vst v63  }
0x3d: {  	_ =	swait.ge [sflag:s14], $0x80  }
0x3e: {  	[sflag:s14] =	ssyncset.done $0x0  }
0x3f: {  	[sflag:s14] =	ssyncadd.s32 $0xFFFFFF80  }
0x40: {  	[bflag:$0x0] =	sbarrier.arrive $0xFFFF  }
0x41: {  	[hbm:s9@s19], [sflag:s7] =	dma.strided [spmem:s13@s20], $0x50, s14, $0x10   }
0x42: {  	s21 =	sadd.s32 $0x1, s21;
	_ =	swait.ge [sflag:s14], $0x50  }
0x43: {  	p0 =	sne.s32 s21, s12;
	[sflag:s14] =	ssyncset.done $0x0  }
.Ltmp1:
0x44: {  	[sflag:s14] =	ssyncadd.s32 $0xFFFFFFB0;
	(pc) =	sbr.rel @p0 .LBB2_1-.Ltmp1, $4  }
0x45: {  	[hbm:s11@s19], [sflag:s7] =	dma.strided [spmem:s15@s20], $0x50, s14, $0x10   }
0x46: {  	_ =	swait.ge [sflag:s14], $0x50  }
0x47: {  	[sflag:s14] =	ssyncset.done $0x0  }
0x48: {  	[sflag:s14] =	ssyncadd.s32 $0xFFFFFFB0  }
0x49: {  	_ =	sfence.sel $0x180000  }
0x4a: {  	[bflag:$0x0] =	sbarrier.arrive $0xFFFF  }
0x4b: {  	p0 =	sne.s32 s0, $0x0;
	_ =	strace $0x90000047  }
0x4c: {  	s0 =	sadd.s32 @!p0 $0x100000, s1;
	[bflag:$0x2] =	sbarrier.arrive $0xFFFF  }
0x4d: {  	[sflag:s0] =	ssyncadd.tile.s32 @!p0 $0x1;
	_ =	shalt  }
.Lfunc_end2:
_tile_overlayer_lowered:
.L_overlay_start_2:
0x4e: {  	(tag) =	ssettag $0x2  }
0x4f: {  	s0 =	rddreg [dreg:$0x0];
	s2 =	stileid.u32  }
0x50: {  	s1 =	rddreg [dreg:$0x1];
	p0 =	sne.s32 s2, $0x0  }
0x51: {  	s3 =	rddreg [dreg:$0x2];
	[bflag:$0x3] =	sbarrier.arrive $0xFFFF;
	s2 =	simm.s32 @!p0 $0x1C01  }
0x52: {  	[timem:s3], [sflag:s2] =	dma.local @!p0 [hbm:s0], s1  }
0x53: {  	s0 =	simm.s32 @!p0 $0x1  }
0x54: {  	_ =	swait.ge @!p0 [sflag:s0], s1  }
0x55: {  	s1 =	ssub.s32 @!p0 $0x0, s1;
	[sflag:s0] =	ssyncset.done @!p0 $0x0  }
0x56: {  	[sflag:s0] =	ssyncadd.s32 @!p0 s1  }
0x57: {  	[bflag:$0x3] =	sbarrier.arrive $0xFFFF  }
0x58: {  	_ =	shalt  }

</sc_bundles>
